<compile_context>
chip_gen: v7x
topology: tpu7x:2x2x1
jax: 0.10.2.dev20260603
libtpu: 0.0.44.dev20260713+nightly
codegen_flags: <defaults>
</compile_context>

<pallas_src>
import functools

import jax
import jax.numpy as jnp
from jax import lax
from jax.experimental import pallas as pl
from jax.experimental.pallas import tpu as pltpu
from jax.experimental.pallas import tpu_sc as plsc

NEIGHBOUR_IOU = 0.2

_N_DT = 2000
_N_GT = 5000
_ROW_TILE = 200
_NC, _NS, _L = 2, 16, 16
_ROWS_PER_W = 64
_RB = 4
_RING = 4


def _tc_kernel(dt_ref, gtc_ref, dtc_ref, dtgt_ref, mask_ref):
    d = dt_ref[...]
    x1r = d[:, 0:1]
    y1r = d[:, 1:2]
    x2r = d[:, 2:3]
    y2r = d[:, 3:4]
    ar = (x2r - x1r) * (y2r - y1r)

    def tile_parts(c):
        ix1 = jnp.maximum(x1r, c[0:1, :])
        iy1 = jnp.maximum(y1r, c[1:2, :])
        ix2 = jnp.minimum(x2r, c[2:3, :])
        iy2 = jnp.minimum(y2r, c[3:4, :])
        inter = jnp.maximum(ix2 - ix1, 0.0) * jnp.maximum(iy2 - iy1, 0.0)
        union = ar + c[4:5, :] - inter
        return inter, union

    inter_g, union_g = tile_parts(gtc_ref[...])
    dtgt_ref[...] = inter_g / union_g
    inter_d, union_d = tile_parts(dtc_ref[...])
    mask_ref[...] = inter_d >= NEIGHBOUR_IOU * union_d


def _sc_body(x1h, y1h, x2h, y2h, arh, out_hbm,
             x1v, y1v, x2v, y2v, arv, ring, sem):
    wid = lax.axis_index("c") * _NS + lax.axis_index("s")
    base = wid * _ROWS_PER_W
    nrows = jnp.clip(_N_DT - base, 0, _ROWS_PER_W)
    ngroups = nrows // _RB

    pltpu.sync_copy(x1h, x1v)
    pltpu.sync_copy(y1h, y1v)
    pltpu.sync_copy(x2h, x2v)
    pltpu.sync_copy(y2h, y2v)
    pltpu.sync_copy(arh, arv)

    nvec = _N_DT // _L

    def group_body(g, _):
        row0 = base + g * _RB
        slot = lax.rem(g, _RING)

        @pl.when(g >= _RING)
        def _wait():
            pltpu.make_async_copy(
                out_hbm.at[pl.ds(0, _RB)], ring.at[0], sem).wait()

        def splat(ref, row):
            v = ref[pl.ds(row, _L)]
            return jnp.full((_L,), v[0], jnp.float32)

        rx1 = [splat(x1v, row0 + r) for r in range(_RB)]
        ry1 = [splat(y1v, row0 + r) for r in range(_RB)]
        rx2 = [splat(x2v, row0 + r) for r in range(_RB)]
        ry2 = [splat(y2v, row0 + r) for r in range(_RB)]
        rar = [splat(arv, row0 + r) for r in range(_RB)]

        @plsc.parallel_loop(0, nvec, unroll=2)
        def col_body(j):
            s = pl.ds(j * _L, _L)
            cx1 = x1v[s]
            cy1 = y1v[s]
            cx2 = x2v[s]
            cy2 = y2v[s]
            car = arv[s]
            for r in range(_RB):
                ix1 = jnp.maximum(rx1[r], cx1)
                iy1 = jnp.maximum(ry1[r], cy1)
                ix2 = jnp.minimum(rx2[r], cx2)
                iy2 = jnp.minimum(ry2[r], cy2)
                inter = (jnp.maximum(ix2 - ix1, 0.0)
                         * jnp.maximum(iy2 - iy1, 0.0))
                union = rar[r] + car - inter
                ring[slot, r, s] = inter / union

        pltpu.async_copy(ring.at[slot], out_hbm.at[pl.ds(row0, _RB)], sem)
        return 0

    lax.fori_loop(0, ngroups, group_body, 0)

    def drain_body(k, _):
        @pl.when(k < jnp.minimum(ngroups, _RING))
        def _d():
            pltpu.make_async_copy(
                out_hbm.at[pl.ds(0, _RB)], ring.at[0], sem).wait()
        return 0

    lax.fori_loop(0, _RING, drain_body, 0)


def _sc_dtdt(x1, y1, x2, y2, ar):
    mesh = plsc.VectorSubcoreMesh(
        core_axis_name="c", subcore_axis_name="s",
        num_cores=_NC, num_subcores=_NS)
    f = pl.kernel(
        _sc_body,
        out_type=jax.ShapeDtypeStruct((_N_DT, _N_DT), jnp.float32),
        mesh=mesh,
        scratch_types=[
            pltpu.VMEM((2048,), jnp.float32),
            pltpu.VMEM((2048,), jnp.float32),
            pltpu.VMEM((2048,), jnp.float32),
            pltpu.VMEM((2048,), jnp.float32),
            pltpu.VMEM((2048,), jnp.float32),
            pltpu.VMEM((_RING, _RB, _N_DT), jnp.float32),
            pltpu.SemaphoreType.DMA,
        ],
    )
    return f(x1, y1, x2, y2, ar)


def kernel(detections, gt_boxes):
    dt = detections[:_N_DT]

    def cols(b, n):
        x1, y1, x2, y2 = b[:, 0], b[:, 1], b[:, 2], b[:, 3]
        area = (x2 - x1) * (y2 - y1)
        z = jnp.zeros_like(x1)
        return jnp.stack([x1, y1, x2, y2, area, z, z, z], axis=0)

    gtc = cols(gt_boxes, _N_GT)
    dtc = cols(dt, _N_DT)

    pad = 2048 - _N_DT
    x1p = jnp.pad(dtc[0], (0, pad))
    y1p = jnp.pad(dtc[1], (0, pad))
    x2p = jnp.pad(dtc[2], (0, pad))
    y2p = jnp.pad(dtc[3], (0, pad))
    arp = jnp.pad(dtc[4], (0, pad))

    dtdt = _sc_dtdt(x1p, y1p, x2p, y2p, arp)

    br = _ROW_TILE
    dtgt, mask = pl.pallas_call(
        _tc_kernel,
        grid=(_N_DT // br,),
        in_specs=[
            pl.BlockSpec((br, 4), lambda i: (i, 0)),
            pl.BlockSpec((8, _N_GT), lambda i: (0, 0)),
            pl.BlockSpec((8, _N_DT), lambda i: (0, 0)),
        ],
        out_specs=[
            pl.BlockSpec((br, _N_GT), lambda i: (i, 0)),
            pl.BlockSpec((br, _N_DT), lambda i: (i, 0)),
        ],
        out_shape=[
            jax.ShapeDtypeStruct((_N_DT, _N_GT), jnp.float32),
            jax.ShapeDtypeStruct((_N_DT, _N_DT), jnp.bool_),
        ],
    )(dt, gtc, dtc)
    return dtgt, dtdt, mask

# --- scband reference (transcript-rebuilt; emitter-appended) ---
"""Pipeline reference for scband-gnet-12867722019170 (READ-ONLY COPY).

The authoritative reference and input builder live on the scoring server;
editing this copy changes nothing except your own understanding.
"""

import jax, jax.numpy as jnp
import numpy as np

NEIGHBOUR_IOU = 0.2

def _box_data(boxes):
    x1 = boxes[:, 0].reshape(-1, 1)
    y1 = boxes[:, 1].reshape(-1, 1)
    x2 = boxes[:, 2].reshape(-1, 1)
    y2 = boxes[:, 3].reshape(-1, 1)
    w = x2 - x1
    h = y2 - y1
    area = w * h
    return (x1, y1, w, h, x2, y2, area)

def _intersection(b1, b2):
    x1 = jnp.maximum(b1[0], b2[0].reshape(1, -1))
    y1 = jnp.maximum(b1[1], b2[1].reshape(1, -1))
    x2 = jnp.minimum(b1[4], b2[4].reshape(1, -1))
    y2 = jnp.minimum(b1[5], b2[5].reshape(1, -1))
    w = jnp.maximum(0.0, x2 - x1)
    h = jnp.maximum(0.0, y2 - y1)
    return w * h

def _iou(b1, b2):
    area1 = b1[6].reshape(-1, 1)
    area2 = b2[6].reshape(1, -1)
    inter = _intersection(b1, b2)
    union = area1 + area2 - inter
    return inter / union

def setup_inputs(seed: int = 0):
    key = jax.random.key(seed)
    k1, k2, k3, k4 = jax.random.split(key, 4)
    xy_dt = jax.random.uniform(k1, (20000, 2), dtype=jnp.float32) * 800.0
    wh_dt = jax.random.uniform(k2, (20000, 2), dtype=jnp.float32) * 120.0 + 1.0
    detections = jnp.concatenate([xy_dt, xy_dt + wh_dt], axis=1)
    xy_gt = jax.random.uniform(k3, (5000, 2), dtype=jnp.float32) * 800.0
    wh_gt = jax.random.uniform(k4, (5000, 2), dtype=jnp.float32) * 120.0 + 1.0
    gt_boxes = jnp.concatenate([xy_gt, xy_gt + wh_gt], axis=1)
    return {"detections": detections, "gt_boxes": gt_boxes}

def reference(detections, gt_boxes):
    # Faithful translation of GNet.forward: slice detections to first 2000,
    # compute box data, dt-gt IoU, dt-dt IoU, and neighbour pairs (IoU >= 0.2).
    dt = detections[:2000]
    dtd = _box_data(dt)
    gtd = _box_data(gt_boxes)
    dt_gt_iou = _iou(dtd, gtd)
    dt_dt_iou = _iou(dtd, dtd)
    neighbour_mask = dt_dt_iou >= NEIGHBOUR_IOU
    return dt_gt_iou, dt_dt_iou, neighbour_mask

if __name__ == "__main__":
    import jax
    _d = setup_inputs()
    print(jax.jit(kernel)(*tuple(_d.values())))

</pallas_src>

<mosaic_0001>
#map = affine_map<(d0, d1) -> (0)>
#map1 = affine_map<(d0, d1) -> (0, 0)>
module attributes {stable_mosaic.version = 14 : i64} {
  func.func @_sc_body(%arg0: i32, %arg1: i32, %arg2: memref<2048xf32, #tpu.memory_space<hbm>>, %arg3: memref<2048xf32, #tpu.memory_space<hbm>>, %arg4: memref<2048xf32, #tpu.memory_space<hbm>>, %arg5: memref<2048xf32, #tpu.memory_space<hbm>>, %arg6: memref<2048xf32, #tpu.memory_space<hbm>>, %arg7: memref<2000x2000xf32, #tpu.memory_space<hbm>>, %arg8: memref<2048xf32, #tpu.memory_space<vmem>>, %arg9: memref<2048xf32, #tpu.memory_space<vmem>>, %arg10: memref<2048xf32, #tpu.memory_space<vmem>>, %arg11: memref<2048xf32, #tpu.memory_space<vmem>>, %arg12: memref<2048xf32, #tpu.memory_space<vmem>>, %arg13: memref<4x4x2000xf32, #tpu.memory_space<vmem>>, %arg14: memref<!tpu.dma_semaphore, #tpu.memory_space<semaphore_mem>>) attributes {dimension_semantics = [#tpu.dimension_semantics<core_parallel>, #tpu.dimension_semantics<subcore_parallel>], iteration_bounds = array<i64: 2, 16>, scalar_prefetch = 0 : i64, scratch_operands = 7 : i64, tpu.core_type = #tpu.core_type<sc_vector_subcore>, window_params = [{transform_indices = #map}, {transform_indices = #map}, {transform_indices = #map}, {transform_indices = #map}, {transform_indices = #map}, {transform_indices = #map1}]} {
    %mul3A = arith.constant 16 : i32
    %mul3A_0 = arith.muli %arg0, %mul3A : i32
    %add3A = arith.addi %mul3A_0, %arg1 : i32
    %mul3A_1 = arith.constant 64 : i32
    %mul3A_2 = arith.muli %add3A, %mul3A_1 : i32
    %sub3A = arith.constant 2000 : i32
    %sub3A_3 = arith.subi %sub3A, %mul3A_2 : i32
    %jit3A = arith.constant 0 : i32
    %jit3A_4 = arith.constant 64 : i32
    %max3A = arith.maxsi %jit3A, %sub3A_3 : i32
    %min3A = arith.minsi %jit3A_4, %max3A : i32
    %jit3A_5 = arith.constant 4 : i32
    %div3A = arith.divsi %min3A, %jit3A_5 : i32
    %sign3A = arith.constant 0 : i32
    %sign3A_6 = arith.cmpi sgt, %min3A, %sign3A : i32
    %sign3A_7 = arith.extui %sign3A_6 : i1 to i32
    %sign3A_8 = arith.constant 0 : i32
    %sign3A_9 = arith.cmpi slt, %min3A, %sign3A_8 : i32
    %sign3A_10 = arith.extui %sign3A_9 : i1 to i32
    %sign3A_11 = arith.subi %sign3A_7, %sign3A_10 : i32
    %sign3A_12 = arith.constant 0 : i32
    %sign3A_13 = arith.cmpi sgt, %jit3A_5, %sign3A_12 : i32
    %sign3A_14 = arith.extui %sign3A_13 : i1 to i32
    %sign3A_15 = arith.constant 0 : i32
    %sign3A_16 = arith.cmpi slt, %jit3A_5, %sign3A_15 : i32
    %sign3A_17 = arith.extui %sign3A_16 : i1 to i32
    %sign3A_18 = arith.subi %sign3A_14, %sign3A_17 : i32
    %ne3A = arith.cmpi ne, %sign3A_11, %sign3A_18 : i32
    %rem3A = arith.remsi %min3A, %jit3A_5 : i32
    %ne3A_19 = arith.constant 0 : i32
    %ne3A_20 = arith.cmpi ne, %rem3A, %ne3A_19 : i32
    %and3A = arith.andi %ne3A, %ne3A_20 : i1
    %sub3A_21 = arith.constant 1 : i32
    %sub3A_22 = arith.subi %div3A, %sub3A_21 : i32
    %select_n3A = arith.select %and3A, %sub3A_22, %div3A : i32
    "tpu.region"() ({
      %run_scoped3A = tpu.sem_alloc : memref<!tpu.dma_semaphore, #tpu.memory_space<semaphore_mem>>
      tpu.enqueue_dma source(%arg2 : memref<2048xf32, #tpu.memory_space<hbm>>) target(%arg8 : memref<2048xf32, #tpu.memory_space<vmem>>) target_semaphore(%run_scoped3A : memref<!tpu.dma_semaphore, #tpu.memory_space<semaphore_mem>>)
      tpu.wait_dma2 semaphore(%run_scoped3A : memref<!tpu.dma_semaphore, #tpu.memory_space<semaphore_mem>>) src(%arg2 : memref<2048xf32, #tpu.memory_space<hbm>>) dst(%arg8 : memref<2048xf32, #tpu.memory_space<vmem>>)
      tpu.yield
    }) : () -> ()
    "tpu.region"() ({
      %run_scoped3A = tpu.sem_alloc : memref<!tpu.dma_semaphore, #tpu.memory_space<semaphore_mem>>
      tpu.enqueue_dma source(%arg3 : memref<2048xf32, #tpu.memory_space<hbm>>) target(%arg9 : memref<2048xf32, #tpu.memory_space<vmem>>) target_semaphore(%run_scoped3A : memref<!tpu.dma_semaphore, #tpu.memory_space<semaphore_mem>>)
      tpu.wait_dma2 semaphore(%run_scoped3A : memref<!tpu.dma_semaphore, #tpu.memory_space<semaphore_mem>>) src(%arg3 : memref<2048xf32, #tpu.memory_space<hbm>>) dst(%arg9 : memref<2048xf32, #tpu.memory_space<vmem>>)
      tpu.yield
    }) : () -> ()
    "tpu.region"() ({
      %run_scoped3A = tpu.sem_alloc : memref<!tpu.dma_semaphore, #tpu.memory_space<semaphore_mem>>
      tpu.enqueue_dma source(%arg4 : memref<2048xf32, #tpu.memory_space<hbm>>) target(%arg10 : memref<2048xf32, #tpu.memory_space<vmem>>) target_semaphore(%run_scoped3A : memref<!tpu.dma_semaphore, #tpu.memory_space<semaphore_mem>>)
      tpu.wait_dma2 semaphore(%run_scoped3A : memref<!tpu.dma_semaphore, #tpu.memory_space<semaphore_mem>>) src(%arg4 : memref<2048xf32, #tpu.memory_space<hbm>>) dst(%arg10 : memref<2048xf32, #tpu.memory_space<vmem>>)
      tpu.yield
    }) : () -> ()
    "tpu.region"() ({
      %run_scoped3A = tpu.sem_alloc : memref<!tpu.dma_semaphore, #tpu.memory_space<semaphore_mem>>
      tpu.enqueue_dma source(%arg5 : memref<2048xf32, #tpu.memory_space<hbm>>) target(%arg11 : memref<2048xf32, #tpu.memory_space<vmem>>) target_semaphore(%run_scoped3A : memref<!tpu.dma_semaphore, #tpu.memory_space<semaphore_mem>>)
      tpu.wait_dma2 semaphore(%run_scoped3A : memref<!tpu.dma_semaphore, #tpu.memory_space<semaphore_mem>>) src(%arg5 : memref<2048xf32, #tpu.memory_space<hbm>>) dst(%arg11 : memref<2048xf32, #tpu.memory_space<vmem>>)
      tpu.yield
    }) : () -> ()
    "tpu.region"() ({
      %run_scoped3A = tpu.sem_alloc : memref<!tpu.dma_semaphore, #tpu.memory_space<semaphore_mem>>
      tpu.enqueue_dma source(%arg6 : memref<2048xf32, #tpu.memory_space<hbm>>) target(%arg12 : memref<2048xf32, #tpu.memory_space<vmem>>) target_semaphore(%run_scoped3A : memref<!tpu.dma_semaphore, #tpu.memory_space<semaphore_mem>>)
      tpu.wait_dma2 semaphore(%run_scoped3A : memref<!tpu.dma_semaphore, #tpu.memory_space<semaphore_mem>>) src(%arg6 : memref<2048xf32, #tpu.memory_space<hbm>>) dst(%arg12 : memref<2048xf32, #tpu.memory_space<vmem>>)
      tpu.yield
    }) : () -> ()
    %while3A = arith.constant 0 : i32
    %while3A_23 = arith.constant 0 : i32
    %while3A_24 = arith.subi %select_n3A, %while3A : i32
    %while3A_25 = arith.addi %while3A, %while3A_24 : i32
    %while3A_26 = arith.constant 1 : i32
    %while3A_27 = arith.divsi %while3A_24, %while3A_26 : i32
    %while3A_28 = arith.muli %while3A_27, %while3A_26 : i32
    %while3A_29 = arith.addi %while3A, %while3A_28 : i32
    %while3A_30 = arith.constant 1 : i32
    %while3A_31 = scf.for %while3A_40 = %while3A to %while3A_29 step %while3A_30 iter_args(%while3A_41 = %while3A_23) -> (i32)  : i32 {
      %mul3A_42 = arith.constant 4 : i32
      %mul3A_43 = arith.muli %while3A_40, %mul3A_42 : i32
      %add3A_44 = arith.addi %mul3A_2, %mul3A_43 : i32
      %rem3A_45 = arith.constant 4 : i32
      %rem3A_46 = arith.remsi %while3A_40, %rem3A_45 : i32
      %ge3A = arith.constant 4 : i32
      %ge3A_47 = arith.cmpi sge, %while3A_40, %ge3A : i32
      %convert_element_type3A = arith.extui %ge3A_47 : i1 to i32
      %cond3A = arith.constant 0 : i32
      %cond3A_48 = arith.cmpi ne, %convert_element_type3A, %cond3A : i32
      scf.if %cond3A_48 {
        %dma_wait3A = arith.constant 0 : i32
        %dma_wait3A_219 = arith.constant 0 : i32
        %dma_wait3A_220 = arith.constant 0 : i32
        %dma_wait3A_221 = tpu.memref_slice %arg13[%dma_wait3A, %dma_wait3A_219, %dma_wait3A_220] : memref<4x4x2000xf32, #tpu.memory_space<vmem>> -> memref<1x4x2000xf32, #tpu.memory_space<vmem>>
        %dma_wait3A_222 = tpu.memref_squeeze %dma_wait3A_221 : memref<1x4x2000xf32, #tpu.memory_space<vmem>> -> memref<4x2000xf32, #tpu.memory_space<vmem>>
        %dma_wait3A_223 = arith.constant 0 : i32
        %dma_wait3A_224 = arith.constant 0 : i32
        %dma_wait3A_225 = tpu.memref_slice %arg7[%dma_wait3A_223, %dma_wait3A_224] : memref<2000x2000xf32, #tpu.memory_space<hbm>> -> memref<4x2000xf32, #tpu.memory_space<hbm>>
        %dma_wait3A_226 = arith.constant 0 : i32
        %dma_wait3A_227 = arith.constant 0 : i32
        %dma_wait3A_228 = tpu.memref_slice %arg13[%dma_wait3A, %dma_wait3A_226, %dma_wait3A_227] : memref<4x4x2000xf32, #tpu.memory_space<vmem>> -> memref<1x4x2000xf32, #tpu.memory_space<vmem>>
        %dma_wait3A_229 = tpu.memref_squeeze %dma_wait3A_228 : memref<1x4x2000xf32, #tpu.memory_space<vmem>> -> memref<4x2000xf32, #tpu.memory_space<vmem>>
        %dma_wait3A_230 = arith.constant 0 : i32
        %dma_wait3A_231 = arith.constant 0 : i32
        %dma_wait3A_232 = tpu.memref_slice %arg7[%dma_wait3A_230, %dma_wait3A_231] : memref<2000x2000xf32, #tpu.memory_space<hbm>> -> memref<4x2000xf32, #tpu.memory_space<hbm>>
        tpu.wait_dma2 semaphore(%arg14 : memref<!tpu.dma_semaphore, #tpu.memory_space<semaphore_mem>>) src(%dma_wait3A_232 : memref<4x2000xf32, #tpu.memory_space<hbm>>) dst(%dma_wait3A_229 : memref<4x2000xf32, #tpu.memory_space<vmem>>)
      } else {
      }
      %add3A_49 = arith.constant 0 : i32
      %add3A_50 = arith.addi %add3A_44, %add3A_49 : i32
      %get3A = arith.index_cast %add3A_50 : i32 to index
      %get3A_51 = tpu.vector_load %arg8[%get3A] {strides = array<i32>} : memref<2048xf32, #tpu.memory_space<vmem>>, vector<16xf32>,
      %get3A_52 = vector.shape_cast %get3A_51 : vector<16xf32> to vector<16xf32>
      %slice3A = vector.extract_strided_slice %get3A_52 {offsets = [0], sizes = [1], strides = [1]} : vector<16xf32> to vector<1xf32>
      %squeeze3A = vector.extract %slice3A[0] : f32 from vector<1xf32>
      %broadcast_in_dim3A = vector.broadcast %squeeze3A : f32 to vector<16xf32>
      %add3A_53 = arith.constant 1 : i32
      %add3A_54 = arith.addi %add3A_44, %add3A_53 : i32
      %get3A_55 = arith.index_cast %add3A_54 : i32 to index
      %get3A_56 = tpu.vector_load %arg8[%get3A_55] {strides = array<i32>} : memref<2048xf32, #tpu.memory_space<vmem>>, vector<16xf32>,
      %get3A_57 = vector.shape_cast %get3A_56 : vector<16xf32> to vector<16xf32>
      %slice3A_58 = vector.extract_strided_slice %get3A_57 {offsets = [0], sizes = [1], strides = [1]} : vector<16xf32> to vector<1xf32>
      %squeeze3A_59 = vector.extract %slice3A_58[0] : f32 from vector<1xf32>
      %broadcast_in_dim3A_60 = vector.broadcast %squeeze3A_59 : f32 to vector<16xf32>
      %add3A_61 = arith.constant 2 : i32
      %add3A_62 = arith.addi %add3A_44, %add3A_61 : i32
      %get3A_63 = arith.index_cast %add3A_62 : i32 to index
      %get3A_64 = tpu.vector_load %arg8[%get3A_63] {strides = array<i32>} : memref<2048xf32, #tpu.memory_space<vmem>>, vector<16xf32>,
      %get3A_65 = vector.shape_cast %get3A_64 : vector<16xf32> to vector<16xf32>
      %slice3A_66 = vector.extract_strided_slice %get3A_65 {offsets = [0], sizes = [1], strides = [1]} : vector<16xf32> to vector<1xf32>
      %squeeze3A_67 = vector.extract %slice3A_66[0] : f32 from vector<1xf32>
      %broadcast_in_dim3A_68 = vector.broadcast %squeeze3A_67 : f32 to vector<16xf32>
      %add3A_69 = arith.constant 3 : i32
      %add3A_70 = arith.addi %add3A_44, %add3A_69 : i32
      %get3A_71 = arith.index_cast %add3A_70 : i32 to index
      %get3A_72 = tpu.vector_load %arg8[%get3A_71] {strides = array<i32>} : memref<2048xf32, #tpu.memory_space<vmem>>, vector<16xf32>,
      %get3A_73 = vector.shape_cast %get3A_72 : vector<16xf32> to vector<16xf32>
      %slice3A_74 = vector.extract_strided_slice %get3A_73 {offsets = [0], sizes = [1], strides = [1]} : vector<16xf32> to vector<1xf32>
      %squeeze3A_75 = vector.extract %slice3A_74[0] : f32 from vector<1xf32>
      %broadcast_in_dim3A_76 = vector.broadcast %squeeze3A_75 : f32 to vector<16xf32>
      %add3A_77 = arith.constant 0 : i32
      %add3A_78 = arith.addi %add3A_44, %add3A_77 : i32
      %get3A_79 = arith.index_cast %add3A_78 : i32 to index
      %get3A_80 = tpu.vector_load %arg9[%get3A_79] {strides = array<i32>} : memref<2048xf32, #tpu.memory_space<vmem>>, vector<16xf32>,
      %get3A_81 = vector.shape_cast %get3A_80 : vector<16xf32> to vector<16xf32>
      %slice3A_82 = vector.extract_strided_slice %get3A_81 {offsets = [0], sizes = [1], strides = [1]} : vector<16xf32> to vector<1xf32>
      %squeeze3A_83 = vector.extract %slice3A_82[0] : f32 from vector<1xf32>
      %broadcast_in_dim3A_84 = vector.broadcast %squeeze3A_83 : f32 to vector<16xf32>
      %add3A_85 = arith.constant 1 : i32
      %add3A_86 = arith.addi %add3A_44, %add3A_85 : i32
      %get3A_87 = arith.index_cast %add3A_86 : i32 to index
      %get3A_88 = tpu.vector_load %arg9[%get3A_87] {strides = array<i32>} : memref<2048xf32, #tpu.memory_space<vmem>>, vector<16xf32>,
      %get3A_89 = vector.shape_cast %get3A_88 : vector<16xf32> to vector<16xf32>
      %slice3A_90 = vector.extract_strided_slice %get3A_89 {offsets = [0], sizes = [1], strides = [1]} : vector<16xf32> to vector<1xf32>
      %squeeze3A_91 = vector.extract %slice3A_90[0] : f32 from vector<1xf32>
      %broadcast_in_dim3A_92 = vector.broadcast %squeeze3A_91 : f32 to vector<16xf32>
      %add3A_93 = arith.constant 2 : i32
      %add3A_94 = arith.addi %add3A_44, %add3A_93 : i32
      %get3A_95 = arith.index_cast %add3A_94 : i32 to index
      %get3A_96 = tpu.vector_load %arg9[%get3A_95] {strides = array<i32>} : memref<2048xf32, #tpu.memory_space<vmem>>, vector<16xf32>,
      %get3A_97 = vector.shape_cast %get3A_96 : vector<16xf32> to vector<16xf32>
      %slice3A_98 = vector.extract_strided_slice %get3A_97 {offsets = [0], sizes = [1], strides = [1]} : vector<16xf32> to vector<1xf32>
      %squeeze3A_99 = vector.extract %slice3A_98[0] : f32 from vector<1xf32>
      %broadcast_in_dim3A_100 = vector.broadcast %squeeze3A_99 : f32 to vector<16xf32>
      %add3A_101 = arith.constant 3 : i32
      %add3A_102 = arith.addi %add3A_44, %add3A_101 : i32
      %get3A_103 = arith.index_cast %add3A_102 : i32 to index
      %get3A_104 = tpu.vector_load %arg9[%get3A_103] {strides = array<i32>} : memref<2048xf32, #tpu.memory_space<vmem>>, vector<16xf32>,
      %get3A_105 = vector.shape_cast %get3A_104 : vector<16xf32> to vector<16xf32>
      %slice3A_106 = vector.extract_strided_slice %get3A_105 {offsets = [0], sizes = [1], strides = [1]} : vector<16xf32> to vector<1xf32>
      %squeeze3A_107 = vector.extract %slice3A_106[0] : f32 from vector<1xf32>
      %broadcast_in_dim3A_108 = vector.broadcast %squeeze3A_107 : f32 to vector<16xf32>
      %add3A_109 = arith.constant 0 : i32
      %add3A_110 = arith.addi %add3A_44, %add3A_109 : i32
      %get3A_111 = arith.index_cast %add3A_110 : i32 to index
      %get3A_112 = tpu.vector_load %arg10[%get3A_111] {strides = array<i32>} : memref<2048xf32, #tpu.memory_space<vmem>>, vector<16xf32>,
      %get3A_113 = vector.shape_cast %get3A_112 : vector<16xf32> to vector<16xf32>
      %slice3A_114 = vector.extract_strided_slice %get3A_113 {offsets = [0], sizes = [1], strides = [1]} : vector<16xf32> to vector<1xf32>
      %squeeze3A_115 = vector.extract %slice3A_114[0] : f32 from vector<1xf32>
      %broadcast_in_dim3A_116 = vector.broadcast %squeeze3A_115 : f32 to vector<16xf32>
      %add3A_117 = arith.constant 1 : i32
      %add3A_118 = arith.addi %add3A_44, %add3A_117 : i32
      %get3A_119 = arith.index_cast %add3A_118 : i32 to index
      %get3A_120 = tpu.vector_load %arg10[%get3A_119] {strides = array<i32>} : memref<2048xf32, #tpu.memory_space<vmem>>, vector<16xf32>,
      %get3A_121 = vector.shape_cast %get3A_120 : vector<16xf32> to vector<16xf32>
      %slice3A_122 = vector.extract_strided_slice %get3A_121 {offsets = [0], sizes = [1], strides = [1]} : vector<16xf32> to vector<1xf32>
      %squeeze3A_123 = vector.extract %slice3A_122[0] : f32 from vector<1xf32>
      %broadcast_in_dim3A_124 = vector.broadcast %squeeze3A_123 : f32 to vector<16xf32>
      %add3A_125 = arith.constant 2 : i32
      %add3A_126 = arith.addi %add3A_44, %add3A_125 : i32
      %get3A_127 = arith.index_cast %add3A_126 : i32 to index
      %get3A_128 = tpu.vector_load %arg10[%get3A_127] {strides = array<i32>} : memref<2048xf32, #tpu.memory_space<vmem>>, vector<16xf32>,
      %get3A_129 = vector.shape_cast %get3A_128 : vector<16xf32> to vector<16xf32>
      %slice3A_130 = vector.extract_strided_slice %get3A_129 {offsets = [0], sizes = [1], strides = [1]} : vector<16xf32> to vector<1xf32>
      %squeeze3A_131 = vector.extract %slice3A_130[0] : f32 from vector<1xf32>
      %broadcast_in_dim3A_132 = vector.broadcast %squeeze3A_131 : f32 to vector<16xf32>
      %add3A_133 = arith.constant 3 : i32
      %add3A_134 = arith.addi %add3A_44, %add3A_133 : i32
      %get3A_135 = arith.index_cast %add3A_134 : i32 to index
      %get3A_136 = tpu.vector_load %arg10[%get3A_135] {strides = array<i32>} : memref<2048xf32, #tpu.memory_space<vmem>>, vector<16xf32>,
      %get3A_137 = vector.shape_cast %get3A_136 : vector<16xf32> to vector<16xf32>
      %slice3A_138 = vector.extract_strided_slice %get3A_137 {offsets = [0], sizes = [1], strides = [1]} : vector<16xf32> to vector<1xf32>
      %squeeze3A_139 = vector.extract %slice3A_138[0] : f32 from vector<1xf32>
      %broadcast_in_dim3A_140 = vector.broadcast %squeeze3A_139 : f32 to vector<16xf32>
      %add3A_141 = arith.constant 0 : i32
      %add3A_142 = arith.addi %add3A_44, %add3A_141 : i32
      %get3A_143 = arith.index_cast %add3A_142 : i32 to index
      %get3A_144 = tpu.vector_load %arg11[%get3A_143] {strides = array<i32>} : memref<2048xf32, #tpu.memory_space<vmem>>, vector<16xf32>,
      %get3A_145 = vector.shape_cast %get3A_144 : vector<16xf32> to vector<16xf32>
      %slice3A_146 = vector.extract_strided_slice %get3A_145 {offsets = [0], sizes = [1], strides = [1]} : vector<16xf32> to vector<1xf32>
      %squeeze3A_147 = vector.extract %slice3A_146[0] : f32 from vector<1xf32>
      %broadcast_in_dim3A_148 = vector.broadcast %squeeze3A_147 : f32 to vector<16xf32>
      %add3A_149 = arith.constant 1 : i32
      %add3A_150 = arith.addi %add3A_44, %add3A_149 : i32
      %get3A_151 = arith.index_cast %add3A_150 : i32 to index
      %get3A_152 = tpu.vector_load %arg11[%get3A_151] {strides = array<i32>} : memref<2048xf32, #tpu.memory_space<vmem>>, vector<16xf32>,
      %get3A_153 = vector.shape_cast %get3A_152 : vector<16xf32> to vector<16xf32>
      %slice3A_154 = vector.extract_strided_slice %get3A_153 {offsets = [0], sizes = [1], strides = [1]} : vector<16xf32> to vector<1xf32>
      %squeeze3A_155 = vector.extract %slice3A_154[0] : f32 from vector<1xf32>
      %broadcast_in_dim3A_156 = vector.broadcast %squeeze3A_155 : f32 to vector<16xf32>
      %add3A_157 = arith.constant 2 : i32
      %add3A_158 = arith.addi %add3A_44, %add3A_157 : i32
      %get3A_159 = arith.index_cast %add3A_158 : i32 to index
      %get3A_160 = tpu.vector_load %arg11[%get3A_159] {strides = array<i32>} : memref<2048xf32, #tpu.memory_space<vmem>>, vector<16xf32>,
      %get3A_161 = vector.shape_cast %get3A_160 : vector<16xf32> to vector<16xf32>
      %slice3A_162 = vector.extract_strided_slice %get3A_161 {offsets = [0], sizes = [1], strides = [1]} : vector<16xf32> to vector<1xf32>
      %squeeze3A_163 = vector.extract %slice3A_162[0] : f32 from vector<1xf32>
      %broadcast_in_dim3A_164 = vector.broadcast %squeeze3A_163 : f32 to vector<16xf32>
      %add3A_165 = arith.constant 3 : i32
      %add3A_166 = arith.addi %add3A_44, %add3A_165 : i32
      %get3A_167 = arith.index_cast %add3A_166 : i32 to index
      %get3A_168 = tpu.vector_load %arg11[%get3A_167] {strides = array<i32>} : memref<2048xf32, #tpu.memory_space<vmem>>, vector<16xf32>,
      %get3A_169 = vector.shape_cast %get3A_168 : vector<16xf32> to vector<16xf32>
      %slice3A_170 = vector.extract_strided_slice %get3A_169 {offsets = [0], sizes = [1], strides = [1]} : vector<16xf32> to vector<1xf32>
      %squeeze3A_171 = vector.extract %slice3A_170[0] : f32 from vector<1xf32>
      %broadcast_in_dim3A_172 = vector.broadcast %squeeze3A_171 : f32 to vector<16xf32>
      %add3A_173 = arith.constant 0 : i32
      %add3A_174 = arith.addi %add3A_44, %add3A_173 : i32
      %get3A_175 = arith.index_cast %add3A_174 : i32 to index
      %get3A_176 = tpu.vector_load %arg12[%get3A_175] {strides = array<i32>} : memref<2048xf32, #tpu.memory_space<vmem>>, vector<16xf32>,
      %get3A_177 = vector.shape_cast %get3A_176 : vector<16xf32> to vector<16xf32>
      %slice3A_178 = vector.extract_strided_slice %get3A_177 {offsets = [0], sizes = [1], strides = [1]} : vector<16xf32> to vector<1xf32>
      %squeeze3A_179 = vector.extract %slice3A_178[0] : f32 from vector<1xf32>
      %broadcast_in_dim3A_180 = vector.broadcast %squeeze3A_179 : f32 to vector<16xf32>
      %add3A_181 = arith.constant 1 : i32
      %add3A_182 = arith.addi %add3A_44, %add3A_181 : i32
      %get3A_183 = arith.index_cast %add3A_182 : i32 to index
      %get3A_184 = tpu.vector_load %arg12[%get3A_183] {strides = array<i32>} : memref<2048xf32, #tpu.memory_space<vmem>>, vector<16xf32>,
      %get3A_185 = vector.shape_cast %get3A_184 : vector<16xf32> to vector<16xf32>
      %slice3A_186 = vector.extract_strided_slice %get3A_185 {offsets = [0], sizes = [1], strides = [1]} : vector<16xf32> to vector<1xf32>
      %squeeze3A_187 = vector.extract %slice3A_186[0] : f32 from vector<1xf32>
      %broadcast_in_dim3A_188 = vector.broadcast %squeeze3A_187 : f32 to vector<16xf32>
      %add3A_189 = arith.constant 2 : i32
      %add3A_190 = arith.addi %add3A_44, %add3A_189 : i32
      %get3A_191 = arith.index_cast %add3A_190 : i32 to index
      %get3A_192 = tpu.vector_load %arg12[%get3A_191] {strides = array<i32>} : memref<2048xf32, #tpu.memory_space<vmem>>, vector<16xf32>,
      %get3A_193 = vector.shape_cast %get3A_192 : vector<16xf32> to vector<16xf32>
      %slice3A_194 = vector.extract_strided_slice %get3A_193 {offsets = [0], sizes = [1], strides = [1]} : vector<16xf32> to vector<1xf32>
      %squeeze3A_195 = vector.extract %slice3A_194[0] : f32 from vector<1xf32>
      %broadcast_in_dim3A_196 = vector.broadcast %squeeze3A_195 : f32 to vector<16xf32>
      %add3A_197 = arith.constant 3 : i32
      %add3A_198 = arith.addi %add3A_44, %add3A_197 : i32
      %get3A_199 = arith.index_cast %add3A_198 : i32 to index
      %get3A_200 = tpu.vector_load %arg12[%get3A_199] {strides = array<i32>} : memref<2048xf32, #tpu.memory_space<vmem>>, vector<16xf32>,
      %get3A_201 = vector.shape_cast %get3A_200 : vector<16xf32> to vector<16xf32>
      %slice3A_202 = vector.extract_strided_slice %get3A_201 {offsets = [0], sizes = [1], strides = [1]} : vector<16xf32> to vector<1xf32>
      %squeeze3A_203 = vector.extract %slice3A_202[0] : f32 from vector<1xf32>
      %broadcast_in_dim3A_204 = vector.broadcast %squeeze3A_203 : f32 to vector<16xf32>
      %parallel_loop3A = arith.constant 0 : i32
      %parallel_loop3A_205 = arith.constant 125 : i32
      %parallel_loop3A_206 = arith.constant 1 : i32
      scf.for %parallel_loop3A_219 = %parallel_loop3A to %parallel_loop3A_205 step %parallel_loop3A_206  : i32 {
        %parallel_loop3A_220 = arith.constant 16 : i32
        %parallel_loop3A_221 = arith.muli %parallel_loop3A_219, %parallel_loop3A_220 : i32
        %parallel_loop3A_222 = arith.index_cast %parallel_loop3A_221 : i32 to index
        %parallel_loop3A_223 = tpu.vector_load %arg8[%parallel_loop3A_222] {strides = array<i32>} : memref<2048xf32, #tpu.memory_space<vmem>>, vector<16xf32>,
        %parallel_loop3A_224 = vector.shape_cast %parallel_loop3A_223 : vector<16xf32> to vector<16xf32>
        %parallel_loop3A_225 = arith.index_cast %parallel_loop3A_221 : i32 to index
        %parallel_loop3A_226 = tpu.vector_load %arg9[%parallel_loop3A_225] {strides = array<i32>} : memref<2048xf32, #tpu.memory_space<vmem>>, vector<16xf32>,
        %parallel_loop3A_227 = vector.shape_cast %parallel_loop3A_226 : vector<16xf32> to vector<16xf32>
        %parallel_loop3A_228 = arith.index_cast %parallel_loop3A_221 : i32 to index
        %parallel_loop3A_229 = tpu.vector_load %arg10[%parallel_loop3A_228] {strides = array<i32>} : memref<2048xf32, #tpu.memory_space<vmem>>, vector<16xf32>,
        %parallel_loop3A_230 = vector.shape_cast %parallel_loop3A_229 : vector<16xf32> to vector<16xf32>
        %parallel_loop3A_231 = arith.index_cast %parallel_loop3A_221 : i32 to index
        %parallel_loop3A_232 = tpu.vector_load %arg11[%parallel_loop3A_231] {strides = array<i32>} : memref<2048xf32, #tpu.memory_space<vmem>>, vector<16xf32>,
        %parallel_loop3A_233 = vector.shape_cast %parallel_loop3A_232 : vector<16xf32> to vector<16xf32>
        %parallel_loop3A_234 = arith.index_cast %parallel_loop3A_221 : i32 to index
        %parallel_loop3A_235 = tpu.vector_load %arg12[%parallel_loop3A_234] {strides = array<i32>} : memref<2048xf32, #tpu.memory_space<vmem>>, vector<16xf32>,
        %parallel_loop3A_236 = vector.shape_cast %parallel_loop3A_235 : vector<16xf32> to vector<16xf32>
        %parallel_loop3A_237 = arith.maximumf %broadcast_in_dim3A, %parallel_loop3A_224 : vector<16xf32>
        %parallel_loop3A_238 = arith.maximumf %broadcast_in_dim3A_84, %parallel_loop3A_227 : vector<16xf32>
        %parallel_loop3A_239 = arith.minimumf %broadcast_in_dim3A_116, %parallel_loop3A_230 : vector<16xf32>
        %parallel_loop3A_240 = arith.minimumf %broadcast_in_dim3A_148, %parallel_loop3A_233 : vector<16xf32>
        %parallel_loop3A_241 = arith.subf %parallel_loop3A_239, %parallel_loop3A_237 : vector<16xf32>
        %parallel_loop3A_242 = arith.constant 0.000000e+00 : f32
        %parallel_loop3A_243 = vector.broadcast %parallel_loop3A_242 : f32 to vector<16xf32>
        %parallel_loop3A_244 = arith.maximumf %parallel_loop3A_241, %parallel_loop3A_243 : vector<16xf32>
        %parallel_loop3A_245 = arith.subf %parallel_loop3A_240, %parallel_loop3A_238 : vector<16xf32>
        %parallel_loop3A_246 = arith.constant 0.000000e+00 : f32
        %parallel_loop3A_247 = vector.broadcast %parallel_loop3A_246 : f32 to vector<16xf32>
        %parallel_loop3A_248 = arith.maximumf %parallel_loop3A_245, %parallel_loop3A_247 : vector<16xf32>
        %parallel_loop3A_249 = arith.mulf %parallel_loop3A_244, %parallel_loop3A_248 : vector<16xf32>
        %parallel_loop3A_250 = arith.addf %broadcast_in_dim3A_180, %parallel_loop3A_236 : vector<16xf32>
        %parallel_loop3A_251 = arith.subf %parallel_loop3A_250, %parallel_loop3A_249 : vector<16xf32>
        %parallel_loop3A_252 = arith.divf %parallel_loop3A_249, %parallel_loop3A_251 : vector<16xf32>
        %parallel_loop3A_253 = arith.constant 0 : i32
        %parallel_loop3A_254 = arith.index_cast %rem3A_46 : i32 to index
        %parallel_loop3A_255 = arith.index_cast %parallel_loop3A_253 : i32 to index
        %parallel_loop3A_256 = arith.index_cast %parallel_loop3A_221 : i32 to index
        %parallel_loop3A_257 = tpu.vector_load %arg13[%parallel_loop3A_254, %parallel_loop3A_255, %parallel_loop3A_256] {strides = array<i32>} : memref<4x4x2000xf32, #tpu.memory_space<vmem>>, vector<1x1x16xf32>,
        %parallel_loop3A_258 = vector.shape_cast %parallel_loop3A_257 : vector<1x1x16xf32> to vector<16xf32>
        %parallel_loop3A_259 = vector.shape_cast %parallel_loop3A_252 : vector<16xf32> to vector<1x1x16xf32>
        tpu.vector_store %arg13[%parallel_loop3A_254, %parallel_loop3A_255, %parallel_loop3A_256], %parallel_loop3A_259 {strides = array<i32>} : memref<4x4x2000xf32, #tpu.memory_space<vmem>>, vector<1x1x16xf32>,
        %parallel_loop3A_260 = arith.maximumf %broadcast_in_dim3A_60, %parallel_loop3A_224 : vector<16xf32>
        %parallel_loop3A_261 = arith.maximumf %broadcast_in_dim3A_92, %parallel_loop3A_227 : vector<16xf32>
        %parallel_loop3A_262 = arith.minimumf %broadcast_in_dim3A_124, %parallel_loop3A_230 : vector<16xf32>
        %parallel_loop3A_263 = arith.minimumf %broadcast_in_dim3A_156, %parallel_loop3A_233 : vector<16xf32>
        %parallel_loop3A_264 = arith.subf %parallel_loop3A_262, %parallel_loop3A_260 : vector<16xf32>
        %parallel_loop3A_265 = arith.constant 0.000000e+00 : f32
        %parallel_loop3A_266 = vector.broadcast %parallel_loop3A_265 : f32 to vector<16xf32>
        %parallel_loop3A_267 = arith.maximumf %parallel_loop3A_264, %parallel_loop3A_266 : vector<16xf32>
        %parallel_loop3A_268 = arith.subf %parallel_loop3A_263, %parallel_loop3A_261 : vector<16xf32>
        %parallel_loop3A_269 = arith.constant 0.000000e+00 : f32
        %parallel_loop3A_270 = vector.broadcast %parallel_loop3A_269 : f32 to vector<16xf32>
        %parallel_loop3A_271 = arith.maximumf %parallel_loop3A_268, %parallel_loop3A_270 : vector<16xf32>
        %parallel_loop3A_272 = arith.mulf %parallel_loop3A_267, %parallel_loop3A_271 : vector<16xf32>
        %parallel_loop3A_273 = arith.addf %broadcast_in_dim3A_188, %parallel_loop3A_236 : vector<16xf32>
        %parallel_loop3A_274 = arith.subf %parallel_loop3A_273, %parallel_loop3A_272 : vector<16xf32>
        %parallel_loop3A_275 = arith.divf %parallel_loop3A_272, %parallel_loop3A_274 : vector<16xf32>
        %parallel_loop3A_276 = arith.constant 1 : i32
        %parallel_loop3A_277 = arith.index_cast %rem3A_46 : i32 to index
        %parallel_loop3A_278 = arith.index_cast %parallel_loop3A_276 : i32 to index
        %parallel_loop3A_279 = arith.index_cast %parallel_loop3A_221 : i32 to index
        %parallel_loop3A_280 = tpu.vector_load %arg13[%parallel_loop3A_277, %parallel_loop3A_278, %parallel_loop3A_279] {strides = array<i32>} : memref<4x4x2000xf32, #tpu.memory_space<vmem>>, vector<1x1x16xf32>,
        %parallel_loop3A_281 = vector.shape_cast %parallel_loop3A_280 : vector<1x1x16xf32> to vector<16xf32>
        %parallel_loop3A_282 = vector.shape_cast %parallel_loop3A_275 : vector<16xf32> to vector<1x1x16xf32>
        tpu.vector_store %arg13[%parallel_loop3A_277, %parallel_loop3A_278, %parallel_loop3A_279], %parallel_loop3A_282 {strides = array<i32>} : memref<4x4x2000xf32, #tpu.memory_space<vmem>>, vector<1x1x16xf32>,
        %parallel_loop3A_283 = arith.maximumf %broadcast_in_dim3A_68, %parallel_loop3A_224 : vector<16xf32>
        %parallel_loop3A_284 = arith.maximumf %broadcast_in_dim3A_100, %parallel_loop3A_227 : vector<16xf32>
        %parallel_loop3A_285 = arith.minimumf %broadcast_in_dim3A_132, %parallel_loop3A_230 : vector<16xf32>
        %parallel_loop3A_286 = arith.minimumf %broadcast_in_dim3A_164, %parallel_loop3A_233 : vector<16xf32>
        %parallel_loop3A_287 = arith.subf %parallel_loop3A_285, %parallel_loop3A_283 : vector<16xf32>
        %parallel_loop3A_288 = arith.constant 0.000000e+00 : f32
        %parallel_loop3A_289 = vector.broadcast %parallel_loop3A_288 : f32 to vector<16xf32>
        %parallel_loop3A_290 = arith.maximumf %parallel_loop3A_287, %parallel_loop3A_289 : vector<16xf32>
        %parallel_loop3A_291 = arith.subf %parallel_loop3A_286, %parallel_loop3A_284 : vector<16xf32>
        %parallel_loop3A_292 = arith.constant 0.000000e+00 : f32
        %parallel_loop3A_293 = vector.broadcast %parallel_loop3A_292 : f32 to vector<16xf32>
        %parallel_loop3A_294 = arith.maximumf %parallel_loop3A_291, %parallel_loop3A_293 : vector<16xf32>
        %parallel_loop3A_295 = arith.mulf %parallel_loop3A_290, %parallel_loop3A_294 : vector<16xf32>
        %parallel_loop3A_296 = arith.addf %broadcast_in_dim3A_196, %parallel_loop3A_236 : vector<16xf32>
        %parallel_loop3A_297 = arith.subf %parallel_loop3A_296, %parallel_loop3A_295 : vector<16xf32>
        %parallel_loop3A_298 = arith.divf %parallel_loop3A_295, %parallel_loop3A_297 : vector<16xf32>
        %parallel_loop3A_299 = arith.constant 2 : i32
        %parallel_loop3A_300 = arith.index_cast %rem3A_46 : i32 to index
        %parallel_loop3A_301 = arith.index_cast %parallel_loop3A_299 : i32 to index
        %parallel_loop3A_302 = arith.index_cast %parallel_loop3A_221 : i32 to index
        %parallel_loop3A_303 = tpu.vector_load %arg13[%parallel_loop3A_300, %parallel_loop3A_301, %parallel_loop3A_302] {strides = array<i32>} : memref<4x4x2000xf32, #tpu.memory_space<vmem>>, vector<1x1x16xf32>,
        %parallel_loop3A_304 = vector.shape_cast %parallel_loop3A_303 : vector<1x1x16xf32> to vector<16xf32>
        %parallel_loop3A_305 = vector.shape_cast %parallel_loop3A_298 : vector<16xf32> to vector<1x1x16xf32>
        tpu.vector_store %arg13[%parallel_loop3A_300, %parallel_loop3A_301, %parallel_loop3A_302], %parallel_loop3A_305 {strides = array<i32>} : memref<4x4x2000xf32, #tpu.memory_space<vmem>>, vector<1x1x16xf32>,
        %parallel_loop3A_306 = arith.maximumf %broadcast_in_dim3A_76, %parallel_loop3A_224 : vector<16xf32>
        %parallel_loop3A_307 = arith.maximumf %broadcast_in_dim3A_108, %parallel_loop3A_227 : vector<16xf32>
        %parallel_loop3A_308 = arith.minimumf %broadcast_in_dim3A_140, %parallel_loop3A_230 : vector<16xf32>
        %parallel_loop3A_309 = arith.minimumf %broadcast_in_dim3A_172, %parallel_loop3A_233 : vector<16xf32>
        %parallel_loop3A_310 = arith.subf %parallel_loop3A_308, %parallel_loop3A_306 : vector<16xf32>
        %parallel_loop3A_311 = arith.constant 0.000000e+00 : f32
        %parallel_loop3A_312 = vector.broadcast %parallel_loop3A_311 : f32 to vector<16xf32>
        %parallel_loop3A_313 = arith.maximumf %parallel_loop3A_310, %parallel_loop3A_312 : vector<16xf32>
        %parallel_loop3A_314 = arith.subf %parallel_loop3A_309, %parallel_loop3A_307 : vector<16xf32>
        %parallel_loop3A_315 = arith.constant 0.000000e+00 : f32
        %parallel_loop3A_316 = vector.broadcast %parallel_loop3A_315 : f32 to vector<16xf32>
        %parallel_loop3A_317 = arith.maximumf %parallel_loop3A_314, %parallel_loop3A_316 : vector<16xf32>
        %parallel_loop3A_318 = arith.mulf %parallel_loop3A_313, %parallel_loop3A_317 : vector<16xf32>
        %parallel_loop3A_319 = arith.addf %broadcast_in_dim3A_204, %parallel_loop3A_236 : vector<16xf32>
        %parallel_loop3A_320 = arith.subf %parallel_loop3A_319, %parallel_loop3A_318 : vector<16xf32>
        %parallel_loop3A_321 = arith.divf %parallel_loop3A_318, %parallel_loop3A_320 : vector<16xf32>
        %parallel_loop3A_322 = arith.constant 3 : i32
        %parallel_loop3A_323 = arith.index_cast %rem3A_46 : i32 to index
        %parallel_loop3A_324 = arith.index_cast %parallel_loop3A_322 : i32 to index
        %parallel_loop3A_325 = arith.index_cast %parallel_loop3A_221 : i32 to index
        %parallel_loop3A_326 = tpu.vector_load %arg13[%parallel_loop3A_323, %parallel_loop3A_324, %parallel_loop3A_325] {strides = array<i32>} : memref<4x4x2000xf32, #tpu.memory_space<vmem>>, vector<1x1x16xf32>,
        %parallel_loop3A_327 = vector.shape_cast %parallel_loop3A_326 : vector<1x1x16xf32> to vector<16xf32>
        %parallel_loop3A_328 = vector.shape_cast %parallel_loop3A_321 : vector<16xf32> to vector<1x1x16xf32>
        tpu.vector_store %arg13[%parallel_loop3A_323, %parallel_loop3A_324, %parallel_loop3A_325], %parallel_loop3A_328 {strides = array<i32>} : memref<4x4x2000xf32, #tpu.memory_space<vmem>>, vector<1x1x16xf32>,
      } {sc.loop_unroll_factor = 2 : i64, sc.parallel_access}
      %dma_start3A = arith.constant 0 : i32
      %dma_start3A_207 = arith.constant 0 : i32
      %dma_start3A_208 = tpu.memref_slice %arg13[%rem3A_46, %dma_start3A, %dma_start3A_207] : memref<4x4x2000xf32, #tpu.memory_space<vmem>> -> memref<1x4x2000xf32, #tpu.memory_space<vmem>>
      %dma_start3A_209 = tpu.memref_squeeze %dma_start3A_208 : memref<1x4x2000xf32, #tpu.memory_space<vmem>> -> memref<4x2000xf32, #tpu.memory_space<vmem>>
      %dma_start3A_210 = arith.constant 0 : i32
      %dma_start3A_211 = tpu.memref_slice %arg7[%add3A_44, %dma_start3A_210] : memref<2000x2000xf32, #tpu.memory_space<hbm>> -> memref<4x2000xf32, #tpu.memory_space<hbm>>
      %dma_start3A_212 = arith.constant 0 : i32
      %dma_start3A_213 = tpu.memref_slice %arg7[%add3A_44, %dma_start3A_212] : memref<2000x2000xf32, #tpu.memory_space<hbm>> -> memref<4x2000xf32, #tpu.memory_space<hbm>>
      %dma_start3A_214 = arith.constant 0 : i32
      %dma_start3A_215 = arith.constant 0 : i32
      %dma_start3A_216 = tpu.memref_slice %arg13[%rem3A_46, %dma_start3A_214, %dma_start3A_215] : memref<4x4x2000xf32, #tpu.memory_space<vmem>> -> memref<1x4x2000xf32, #tpu.memory_space<vmem>>
      %dma_start3A_217 = tpu.memref_squeeze %dma_start3A_216 : memref<1x4x2000xf32, #tpu.memory_space<vmem>> -> memref<4x2000xf32, #tpu.memory_space<vmem>>
      tpu.enqueue_dma source(%dma_start3A_217 : memref<4x2000xf32, #tpu.memory_space<vmem>>) target(%dma_start3A_213 : memref<4x2000xf32, #tpu.memory_space<hbm>>) target_semaphore(%arg14 : memref<!tpu.dma_semaphore, #tpu.memory_space<semaphore_mem>>)
      %while3A_218 = arith.constant 0 : i32
      scf.yield %while3A_218 : i32
    }
    %while3A_32 = arith.constant 1 : i32
    %while3A_33 = scf.for %while3A_40 = %while3A_29 to %while3A_25 step %while3A_32 iter_args(%while3A_41 = %while3A_31) -> (i32)  : i32 {
      %mul3A_42 = arith.constant 4 : i32
      %mul3A_43 = arith.muli %while3A_40, %mul3A_42 : i32
      %add3A_44 = arith.addi %mul3A_2, %mul3A_43 : i32
      %rem3A_45 = arith.constant 4 : i32
      %rem3A_46 = arith.remsi %while3A_40, %rem3A_45 : i32
      %ge3A = arith.constant 4 : i32
      %ge3A_47 = arith.cmpi sge, %while3A_40, %ge3A : i32
      %convert_element_type3A = arith.extui %ge3A_47 : i1 to i32
      %cond3A = arith.constant 0 : i32
      %cond3A_48 = arith.cmpi ne, %convert_element_type3A, %cond3A : i32
      scf.if %cond3A_48 {
        %dma_wait3A = arith.constant 0 : i32
        %dma_wait3A_219 = arith.constant 0 : i32
        %dma_wait3A_220 = arith.constant 0 : i32
        %dma_wait3A_221 = tpu.memref_slice %arg13[%dma_wait3A, %dma_wait3A_219, %dma_wait3A_220] : memref<4x4x2000xf32, #tpu.memory_space<vmem>> -> memref<1x4x2000xf32, #tpu.memory_space<vmem>>
        %dma_wait3A_222 = tpu.memref_squeeze %dma_wait3A_221 : memref<1x4x2000xf32, #tpu.memory_space<vmem>> -> memref<4x2000xf32, #tpu.memory_space<vmem>>
        %dma_wait3A_223 = arith.constant 0 : i32
        %dma_wait3A_224 = arith.constant 0 : i32
        %dma_wait3A_225 = tpu.memref_slice %arg7[%dma_wait3A_223, %dma_wait3A_224] : memref<2000x2000xf32, #tpu.memory_space<hbm>> -> memref<4x2000xf32, #tpu.memory_space<hbm>>
        %dma_wait3A_226 = arith.constant 0 : i32
        %dma_wait3A_227 = arith.constant 0 : i32
        %dma_wait3A_228 = tpu.memref_slice %arg13[%dma_wait3A, %dma_wait3A_226, %dma_wait3A_227] : memref<4x4x2000xf32, #tpu.memory_space<vmem>> -> memref<1x4x2000xf32, #tpu.memory_space<vmem>>
        %dma_wait3A_229 = tpu.memref_squeeze %dma_wait3A_228 : memref<1x4x2000xf32, #tpu.memory_space<vmem>> -> memref<4x2000xf32, #tpu.memory_space<vmem>>
        %dma_wait3A_230 = arith.constant 0 : i32
        %dma_wait3A_231 = arith.constant 0 : i32
        %dma_wait3A_232 = tpu.memref_slice %arg7[%dma_wait3A_230, %dma_wait3A_231] : memref<2000x2000xf32, #tpu.memory_space<hbm>> -> memref<4x2000xf32, #tpu.memory_space<hbm>>
        tpu.wait_dma2 semaphore(%arg14 : memref<!tpu.dma_semaphore, #tpu.memory_space<semaphore_mem>>) src(%dma_wait3A_232 : memref<4x2000xf32, #tpu.memory_space<hbm>>) dst(%dma_wait3A_229 : memref<4x2000xf32, #tpu.memory_space<vmem>>)
      } else {
      }
      %add3A_49 = arith.constant 0 : i32
      %add3A_50 = arith.addi %add3A_44, %add3A_49 : i32
      %get3A = arith.index_cast %add3A_50 : i32 to index
      %get3A_51 = tpu.vector_load %arg8[%get3A] {strides = array<i32>} : memref<2048xf32, #tpu.memory_space<vmem>>, vector<16xf32>,
      %get3A_52 = vector.shape_cast %get3A_51 : vector<16xf32> to vector<16xf32>
      %slice3A = vector.extract_strided_slice %get3A_52 {offsets = [0], sizes = [1], strides = [1]} : vector<16xf32> to vector<1xf32>
      %squeeze3A = vector.extract %slice3A[0] : f32 from vector<1xf32>
      %broadcast_in_dim3A = vector.broadcast %squeeze3A : f32 to vector<16xf32>
      %add3A_53 = arith.constant 1 : i32
      %add3A_54 = arith.addi %add3A_44, %add3A_53 : i32
      %get3A_55 = arith.index_cast %add3A_54 : i32 to index
      %get3A_56 = tpu.vector_load %arg8[%get3A_55] {strides = array<i32>} : memref<2048xf32, #tpu.memory_space<vmem>>, vector<16xf32>,
      %get3A_57 = vector.shape_cast %get3A_56 : vector<16xf32> to vector<16xf32>
      %slice3A_58 = vector.extract_strided_slice %get3A_57 {offsets = [0], sizes = [1], strides = [1]} : vector<16xf32> to vector<1xf32>
      %squeeze3A_59 = vector.extract %slice3A_58[0] : f32 from vector<1xf32>
      %broadcast_in_dim3A_60 = vector.broadcast %squeeze3A_59 : f32 to vector<16xf32>
      %add3A_61 = arith.constant 2 : i32
      %add3A_62 = arith.addi %add3A_44, %add3A_61 : i32
      %get3A_63 = arith.index_cast %add3A_62 : i32 to index
      %get3A_64 = tpu.vector_load %arg8[%get3A_63] {strides = array<i32>} : memref<2048xf32, #tpu.memory_space<vmem>>, vector<16xf32>,
      %get3A_65 = vector.shape_cast %get3A_64 : vector<16xf32> to vector<16xf32>
      %slice3A_66 = vector.extract_strided_slice %get3A_65 {offsets = [0], sizes = [1], strides = [1]} : vector<16xf32> to vector<1xf32>
      %squeeze3A_67 = vector.extract %slice3A_66[0] : f32 from vector<1xf32>
      %broadcast_in_dim3A_68 = vector.broadcast %squeeze3A_67 : f32 to vector<16xf32>
      %add3A_69 = arith.constant 3 : i32
      %add3A_70 = arith.addi %add3A_44, %add3A_69 : i32
      %get3A_71 = arith.index_cast %add3A_70 : i32 to index
      %get3A_72 = tpu.vector_load %arg8[%get3A_71] {strides = array<i32>} : memref<2048xf32, #tpu.memory_space<vmem>>, vector<16xf32>,
      %get3A_73 = vector.shape_cast %get3A_72 : vector<16xf32> to vector<16xf32>
      %slice3A_74 = vector.extract_strided_slice %get3A_73 {offsets = [0], sizes = [1], strides = [1]} : vector<16xf32> to vector<1xf32>
      %squeeze3A_75 = vector.extract %slice3A_74[0] : f32 from vector<1xf32>
      %broadcast_in_dim3A_76 = vector.broadcast %squeeze3A_75 : f32 to vector<16xf32>
      %add3A_77 = arith.constant 0 : i32
      %add3A_78 = arith.addi %add3A_44, %add3A_77 : i32
      %get3A_79 = arith.index_cast %add3A_78 : i32 to index
      %get3A_80 = tpu.vector_load %arg9[%get3A_79] {strides = array<i32>} : memref<2048xf32, #tpu.memory_space<vmem>>, vector<16xf32>,
      %get3A_81 = vector.shape_cast %get3A_80 : vector<16xf32> to vector<16xf32>
      %slice3A_82 = vector.extract_strided_slice %get3A_81 {offsets = [0], sizes = [1], strides = [1]} : vector<16xf32> to vector<1xf32>
      %squeeze3A_83 = vector.extract %slice3A_82[0] : f32 from vector<1xf32>
      %broadcast_in_dim3A_84 = vector.broadcast %squeeze3A_83 : f32 to vector<16xf32>
      %add3A_85 = arith.constant 1 : i32
      %add3A_86 = arith.addi %add3A_44, %add3A_85 : i32
      %get3A_87 = arith.index_cast %add3A_86 : i32 to index
      %get3A_88 = tpu.vector_load %arg9[%get3A_87] {strides = array<i32>} : memref<2048xf32, #tpu.memory_space<vmem>>, vector<16xf32>,
      %get3A_89 = vector.shape_cast %get3A_88 : vector<16xf32> to vector<16xf32>
      %slice3A_90 = vector.extract_strided_slice %get3A_89 {offsets = [0], sizes = [1], strides = [1]} : vector<16xf32> to vector<1xf32>
      %squeeze3A_91 = vector.extract %slice3A_90[0] : f32 from vector<1xf32>
      %broadcast_in_dim3A_92 = vector.broadcast %squeeze3A_91 : f32 to vector<16xf32>
      %add3A_93 = arith.constant 2 : i32
      %add3A_94 = arith.addi %add3A_44, %add3A_93 : i32
      %get3A_95 = arith.index_cast %add3A_94 : i32 to index
      %get3A_96 = tpu.vector_load %arg9[%get3A_95] {strides = array<i32>} : memref<2048xf32, #tpu.memory_space<vmem>>, vector<16xf32>,
      %get3A_97 = vector.shape_cast %get3A_96 : vector<16xf32> to vector<16xf32>
      %slice3A_98 = vector.extract_strided_slice %get3A_97 {offsets = [0], sizes = [1], strides = [1]} : vector<16xf32> to vector<1xf32>
      %squeeze3A_99 = vector.extract %slice3A_98[0] : f32 from vector<1xf32>
      %broadcast_in_dim3A_100 = vector.broadcast %squeeze3A_99 : f32 to vector<16xf32>
      %add3A_101 = arith.constant 3 : i32
      %add3A_102 = arith.addi %add3A_44, %add3A_101 : i32
      %get3A_103 = arith.index_cast %add3A_102 : i32 to index
      %get3A_104 = tpu.vector_load %arg9[%get3A_103] {strides = array<i32>} : memref<2048xf32, #tpu.memory_space<vmem>>, vector<16xf32>,
      %get3A_105 = vector.shape_cast %get3A_104 : vector<16xf32> to vector<16xf32>
      %slice3A_106 = vector.extract_strided_slice %get3A_105 {offsets = [0], sizes = [1], strides = [1]} : vector<16xf32> to vector<1xf32>
      %squeeze3A_107 = vector.extract %slice3A_106[0] : f32 from vector<1xf32>
      %broadcast_in_dim3A_108 = vector.broadcast %squeeze3A_107 : f32 to vector<16xf32>
      %add3A_109 = arith.constant 0 : i32
      %add3A_110 = arith.addi %add3A_44, %add3A_109 : i32
      %get3A_111 = arith.index_cast %add3A_110 : i32 to index
      %get3A_112 = tpu.vector_load %arg10[%get3A_111] {strides = array<i32>} : memref<2048xf32, #tpu.memory_space<vmem>>, vector<16xf32>,
      %get3A_113 = vector.shape_cast %get3A_112 : vector<16xf32> to vector<16xf32>
      %slice3A_114 = vector.extract_strided_slice %get3A_113 {offsets = [0], sizes = [1], strides = [1]} : vector<16xf32> to vector<1xf32>
      %squeeze3A_115 = vector.extract %slice3A_114[0] : f32 from vector<1xf32>
      %broadcast_in_dim3A_116 = vector.broadcast %squeeze3A_115 : f32 to vector<16xf32>
      %add3A_117 = arith.constant 1 : i32
      %add3A_118 = arith.addi %add3A_44, %add3A_117 : i32
      %get3A_119 = arith.index_cast %add3A_118 : i32 to index
      %get3A_120 = tpu.vector_load %arg10[%get3A_119] {strides = array<i32>} : memref<2048xf32, #tpu.memory_space<vmem>>, vector<16xf32>,
      %get3A_121 = vector.shape_cast %get3A_120 : vector<16xf32> to vector<16xf32>
      %slice3A_122 = vector.extract_strided_slice %get3A_121 {offsets = [0], sizes = [1], strides = [1]} : vector<16xf32> to vector<1xf32>
      %squeeze3A_123 = vector.extract %slice3A_122[0] : f32 from vector<1xf32>
      %broadcast_in_dim3A_124 = vector.broadcast %squeeze3A_123 : f32 to vector<16xf32>
      %add3A_125 = arith.constant 2 : i32
      %add3A_126 = arith.addi %add3A_44, %add3A_125 : i32
      %get3A_127 = arith.index_cast %add3A_126 : i32 to index
      %get3A_128 = tpu.vector_load %arg10[%get3A_127] {strides = array<i32>} : memref<2048xf32, #tpu.memory_space<vmem>>, vector<16xf32>,
      %get3A_129 = vector.shape_cast %get3A_128 : vector<16xf32> to vector<16xf32>
      %slice3A_130 = vector.extract_strided_slice %get3A_129 {offsets = [0], sizes = [1], strides = [1]} : vector<16xf32> to vector<1xf32>
      %squeeze3A_131 = vector.extract %slice3A_130[0] : f32 from vector<1xf32>
      %broadcast_in_dim3A_132 = vector.broadcast %squeeze3A_131 : f32 to vector<16xf32>
      %add3A_133 = arith.constant 3 : i32
      %add3A_134 = arith.addi %add3A_44, %add3A_133 : i32
      %get3A_135 = arith.index_cast %add3A_134 : i32 to index
      %get3A_136 = tpu.vector_load %arg10[%get3A_135] {strides = array<i32>} : memref<2048xf32, #tpu.memory_space<vmem>>, vector<16xf32>,
      %get3A_137 = vector.shape_cast %get3A_136 : vector<16xf32> to vector<16xf32>
      %slice3A_138 = vector.extract_strided_slice %get3A_137 {offsets = [0], sizes = [1], strides = [1]} : vector<16xf32> to vector<1xf32>
      %squeeze3A_139 = vector.extract %slice3A_138[0] : f32 from vector<1xf32>
      %broadcast_in_dim3A_140 = vector.broadcast %squeeze3A_139 : f32 to vector<16xf32>
      %add3A_141 = arith.constant 0 : i32
      %add3A_142 = arith.addi %add3A_44, %add3A_141 : i32
      %get3A_143 = arith.index_cast %add3A_142 : i32 to index
      %get3A_144 = tpu.vector_load %arg11[%get3A_143] {strides = array<i32>} : memref<2048xf32, #tpu.memory_space<vmem>>, vector<16xf32>,
      %get3A_145 = vector.shape_cast %get3A_144 : vector<16xf32> to vector<16xf32>
      %slice3A_146 = vector.extract_strided_slice %get3A_145 {offsets = [0], sizes = [1], strides = [1]} : vector<16xf32> to vector<1xf32>
      %squeeze3A_147 = vector.extract %slice3A_146[0] : f32 from vector<1xf32>
      %broadcast_in_dim3A_148 = vector.broadcast %squeeze3A_147 : f32 to vector<16xf32>
      %add3A_149 = arith.constant 1 : i32
      %add3A_150 = arith.addi %add3A_44, %add3A_149 : i32
      %get3A_151 = arith.index_cast %add3A_150 : i32 to index
      %get3A_152 = tpu.vector_load %arg11[%get3A_151] {strides = array<i32>} : memref<2048xf32, #tpu.memory_space<vmem>>, vector<16xf32>,
      %get3A_153 = vector.shape_cast %get3A_152 : vector<16xf32> to vector<16xf32>
      %slice3A_154 = vector.extract_strided_slice %get3A_153 {offsets = [0], sizes = [1], strides = [1]} : vector<16xf32> to vector<1xf32>
      %squeeze3A_155 = vector.extract %slice3A_154[0] : f32 from vector<1xf32>
      %broadcast_in_dim3A_156 = vector.broadcast %squeeze3A_155 : f32 to vector<16xf32>
      %add3A_157 = arith.constant 2 : i32
      %add3A_158 = arith.addi %add3A_44, %add3A_157 : i32
      %get3A_159 = arith.index_cast %add3A_158 : i32 to index
      %get3A_160 = tpu.vector_load %arg11[%get3A_159] {strides = array<i32>} : memref<2048xf32, #tpu.memory_space<vmem>>, vector<16xf32>,
      %get3A_161 = vector.shape_cast %get3A_160 : vector<16xf32> to vector<16xf32>
      %slice3A_162 = vector.extract_strided_slice %get3A_161 {offsets = [0], sizes = [1], strides = [1]} : vector<16xf32> to vector<1xf32>
      %squeeze3A_163 = vector.extract %slice3A_162[0] : f32 from vector<1xf32>
      %broadcast_in_dim3A_164 = vector.broadcast %squeeze3A_163 : f32 to vector<16xf32>
      %add3A_165 = arith.constant 3 : i32
      %add3A_166 = arith.addi %add3A_44, %add3A_165 : i32
      %get3A_167 = arith.index_cast %add3A_166 : i32 to index
      %get3A_168 = tpu.vector_load %arg11[%get3A_167] {strides = array<i32>} : memref<2048xf32, #tpu.memory_space<vmem>>, vector<16xf32>,
      %get3A_169 = vector.shape_cast %get3A_168 : vector<16xf32> to vector<16xf32>
      %slice3A_170 = vector.extract_strided_slice %get3A_169 {offsets = [0], sizes = [1], strides = [1]} : vector<16xf32> to vector<1xf32>
      %squeeze3A_171 = vector.extract %slice3A_170[0] : f32 from vector<1xf32>
      %broadcast_in_dim3A_172 = vector.broadcast %squeeze3A_171 : f32 to vector<16xf32>
      %add3A_173 = arith.constant 0 : i32
      %add3A_174 = arith.addi %add3A_44, %add3A_173 : i32
      %get3A_175 = arith.index_cast %add3A_174 : i32 to index
      %get3A_176 = tpu.vector_load %arg12[%get3A_175] {strides = array<i32>} : memref<2048xf32, #tpu.memory_space<vmem>>, vector<16xf32>,
      %get3A_177 = vector.shape_cast %get3A_176 : vector<16xf32> to vector<16xf32>
      %slice3A_178 = vector.extract_strided_slice %get3A_177 {offsets = [0], sizes = [1], strides = [1]} : vector<16xf32> to vector<1xf32>
      %squeeze3A_179 = vector.extract %slice3A_178[0] : f32 from vector<1xf32>
      %broadcast_in_dim3A_180 = vector.broadcast %squeeze3A_179 : f32 to vector<16xf32>
      %add3A_181 = arith.constant 1 : i32
      %add3A_182 = arith.addi %add3A_44, %add3A_181 : i32
      %get3A_183 = arith.index_cast %add3A_182 : i32 to index
      %get3A_184 = tpu.vector_load %arg12[%get3A_183] {strides = array<i32>} : memref<2048xf32, #tpu.memory_space<vmem>>, vector<16xf32>,
      %get3A_185 = vector.shape_cast %get3A_184 : vector<16xf32> to vector<16xf32>
      %slice3A_186 = vector.extract_strided_slice %get3A_185 {offsets = [0], sizes = [1], strides = [1]} : vector<16xf32> to vector<1xf32>
      %squeeze3A_187 = vector.extract %slice3A_186[0] : f32 from vector<1xf32>
      %broadcast_in_dim3A_188 = vector.broadcast %squeeze3A_187 : f32 to vector<16xf32>
      %add3A_189 = arith.constant 2 : i32
      %add3A_190 = arith.addi %add3A_44, %add3A_189 : i32
      %get3A_191 = arith.index_cast %add3A_190 : i32 to index
      %get3A_192 = tpu.vector_load %arg12[%get3A_191] {strides = array<i32>} : memref<2048xf32, #tpu.memory_space<vmem>>, vector<16xf32>,
      %get3A_193 = vector.shape_cast %get3A_192 : vector<16xf32> to vector<16xf32>
      %slice3A_194 = vector.extract_strided_slice %get3A_193 {offsets = [0], sizes = [1], strides = [1]} : vector<16xf32> to vector<1xf32>
      %squeeze3A_195 = vector.extract %slice3A_194[0] : f32 from vector<1xf32>
      %broadcast_in_dim3A_196 = vector.broadcast %squeeze3A_195 : f32 to vector<16xf32>
      %add3A_197 = arith.constant 3 : i32
      %add3A_198 = arith.addi %add3A_44, %add3A_197 : i32
      %get3A_199 = arith.index_cast %add3A_198 : i32 to index
      %get3A_200 = tpu.vector_load %arg12[%get3A_199] {strides = array<i32>} : memref<2048xf32, #tpu.memory_space<vmem>>, vector<16xf32>,
      %get3A_201 = vector.shape_cast %get3A_200 : vector<16xf32> to vector<16xf32>
      %slice3A_202 = vector.extract_strided_slice %get3A_201 {offsets = [0], sizes = [1], strides = [1]} : vector<16xf32> to vector<1xf32>
      %squeeze3A_203 = vector.extract %slice3A_202[0] : f32 from vector<1xf32>
      %broadcast_in_dim3A_204 = vector.broadcast %squeeze3A_203 : f32 to vector<16xf32>
      %parallel_loop3A = arith.constant 0 : i32
      %parallel_loop3A_205 = arith.constant 125 : i32
      %parallel_loop3A_206 = arith.constant 1 : i32
      scf.for %parallel_loop3A_219 = %parallel_loop3A to %parallel_loop3A_205 step %parallel_loop3A_206  : i32 {
        %parallel_loop3A_220 = arith.constant 16 : i32
        %parallel_loop3A_221 = arith.muli %parallel_loop3A_219, %parallel_loop3A_220 : i32
        %parallel_loop3A_222 = arith.index_cast %parallel_loop3A_221 : i32 to index
        %parallel_loop3A_223 = tpu.vector_load %arg8[%parallel_loop3A_222] {strides = array<i32>} : memref<2048xf32, #tpu.memory_space<vmem>>, vector<16xf32>,
        %parallel_loop3A_224 = vector.shape_cast %parallel_loop3A_223 : vector<16xf32> to vector<16xf32>
        %parallel_loop3A_225 = arith.index_cast %parallel_loop3A_221 : i32 to index
        %parallel_loop3A_226 = tpu.vector_load %arg9[%parallel_loop3A_225] {strides = array<i32>} : memref<2048xf32, #tpu.memory_space<vmem>>, vector<16xf32>,
        %parallel_loop3A_227 = vector.shape_cast %parallel_loop3A_226 : vector<16xf32> to vector<16xf32>
        %parallel_loop3A_228 = arith.index_cast %parallel_loop3A_221 : i32 to index
        %parallel_loop3A_229 = tpu.vector_load %arg10[%parallel_loop3A_228] {strides = array<i32>} : memref<2048xf32, #tpu.memory_space<vmem>>, vector<16xf32>,
        %parallel_loop3A_230 = vector.shape_cast %parallel_loop3A_229 : vector<16xf32> to vector<16xf32>
        %parallel_loop3A_231 = arith.index_cast %parallel_loop3A_221 : i32 to index
        %parallel_loop3A_232 = tpu.vector_load %arg11[%parallel_loop3A_231] {strides = array<i32>} : memref<2048xf32, #tpu.memory_space<vmem>>, vector<16xf32>,
        %parallel_loop3A_233 = vector.shape_cast %parallel_loop3A_232 : vector<16xf32> to vector<16xf32>
        %parallel_loop3A_234 = arith.index_cast %parallel_loop3A_221 : i32 to index
        %parallel_loop3A_235 = tpu.vector_load %arg12[%parallel_loop3A_234] {strides = array<i32>} : memref<2048xf32, #tpu.memory_space<vmem>>, vector<16xf32>,
        %parallel_loop3A_236 = vector.shape_cast %parallel_loop3A_235 : vector<16xf32> to vector<16xf32>
        %parallel_loop3A_237 = arith.maximumf %broadcast_in_dim3A, %parallel_loop3A_224 : vector<16xf32>
        %parallel_loop3A_238 = arith.maximumf %broadcast_in_dim3A_84, %parallel_loop3A_227 : vector<16xf32>
        %parallel_loop3A_239 = arith.minimumf %broadcast_in_dim3A_116, %parallel_loop3A_230 : vector<16xf32>
        %parallel_loop3A_240 = arith.minimumf %broadcast_in_dim3A_148, %parallel_loop3A_233 : vector<16xf32>
        %parallel_loop3A_241 = arith.subf %parallel_loop3A_239, %parallel_loop3A_237 : vector<16xf32>
        %parallel_loop3A_242 = arith.constant 0.000000e+00 : f32
        %parallel_loop3A_243 = vector.broadcast %parallel_loop3A_242 : f32 to vector<16xf32>
        %parallel_loop3A_244 = arith.maximumf %parallel_loop3A_241, %parallel_loop3A_243 : vector<16xf32>
        %parallel_loop3A_245 = arith.subf %parallel_loop3A_240, %parallel_loop3A_238 : vector<16xf32>
        %parallel_loop3A_246 = arith.constant 0.000000e+00 : f32
        %parallel_loop3A_247 = vector.broadcast %parallel_loop3A_246 : f32 to vector<16xf32>
        %parallel_loop3A_248 = arith.maximumf %parallel_loop3A_245, %parallel_loop3A_247 : vector<16xf32>
        %parallel_loop3A_249 = arith.mulf %parallel_loop3A_244, %parallel_loop3A_248 : vector<16xf32>
        %parallel_loop3A_250 = arith.addf %broadcast_in_dim3A_180, %parallel_loop3A_236 : vector<16xf32>
        %parallel_loop3A_251 = arith.subf %parallel_loop3A_250, %parallel_loop3A_249 : vector<16xf32>
        %parallel_loop3A_252 = arith.divf %parallel_loop3A_249, %parallel_loop3A_251 : vector<16xf32>
        %parallel_loop3A_253 = arith.constant 0 : i32
        %parallel_loop3A_254 = arith.index_cast %rem3A_46 : i32 to index
        %parallel_loop3A_255 = arith.index_cast %parallel_loop3A_253 : i32 to index
        %parallel_loop3A_256 = arith.index_cast %parallel_loop3A_221 : i32 to index
        %parallel_loop3A_257 = tpu.vector_load %arg13[%parallel_loop3A_254, %parallel_loop3A_255, %parallel_loop3A_256] {strides = array<i32>} : memref<4x4x2000xf32, #tpu.memory_space<vmem>>, vector<1x1x16xf32>,
        %parallel_loop3A_258 = vector.shape_cast %parallel_loop3A_257 : vector<1x1x16xf32> to vector<16xf32>
        %parallel_loop3A_259 = vector.shape_cast %parallel_loop3A_252 : vector<16xf32> to vector<1x1x16xf32>
        tpu.vector_store %arg13[%parallel_loop3A_254, %parallel_loop3A_255, %parallel_loop3A_256], %parallel_loop3A_259 {strides = array<i32>} : memref<4x4x2000xf32, #tpu.memory_space<vmem>>, vector<1x1x16xf32>,
        %parallel_loop3A_260 = arith.maximumf %broadcast_in_dim3A_60, %parallel_loop3A_224 : vector<16xf32>
        %parallel_loop3A_261 = arith.maximumf %broadcast_in_dim3A_92, %parallel_loop3A_227 : vector<16xf32>
        %parallel_loop3A_262 = arith.minimumf %broadcast_in_dim3A_124, %parallel_loop3A_230 : vector<16xf32>
        %parallel_loop3A_263 = arith.minimumf %broadcast_in_dim3A_156, %parallel_loop3A_233 : vector<16xf32>
        %parallel_loop3A_264 = arith.subf %parallel_loop3A_262, %parallel_loop3A_260 : vector<16xf32>
        %parallel_loop3A_265 = arith.constant 0.000000e+00 : f32
        %parallel_loop3A_266 = vector.broadcast %parallel_loop3A_265 : f32 to vector<16xf32>
        %parallel_loop3A_267 = arith.maximumf %parallel_loop3A_264, %parallel_loop3A_266 : vector<16xf32>
        %parallel_loop3A_268 = arith.subf %parallel_loop3A_263, %parallel_loop3A_261 : vector<16xf32>
        %parallel_loop3A_269 = arith.constant 0.000000e+00 : f32
        %parallel_loop3A_270 = vector.broadcast %parallel_loop3A_269 : f32 to vector<16xf32>
        %parallel_loop3A_271 = arith.maximumf %parallel_loop3A_268, %parallel_loop3A_270 : vector<16xf32>
        %parallel_loop3A_272 = arith.mulf %parallel_loop3A_267, %parallel_loop3A_271 : vector<16xf32>
        %parallel_loop3A_273 = arith.addf %broadcast_in_dim3A_188, %parallel_loop3A_236 : vector<16xf32>
        %parallel_loop3A_274 = arith.subf %parallel_loop3A_273, %parallel_loop3A_272 : vector<16xf32>
        %parallel_loop3A_275 = arith.divf %parallel_loop3A_272, %parallel_loop3A_274 : vector<16xf32>
        %parallel_loop3A_276 = arith.constant 1 : i32
        %parallel_loop3A_277 = arith.index_cast %rem3A_46 : i32 to index
        %parallel_loop3A_278 = arith.index_cast %parallel_loop3A_276 : i32 to index
        %parallel_loop3A_279 = arith.index_cast %parallel_loop3A_221 : i32 to index
        %parallel_loop3A_280 = tpu.vector_load %arg13[%parallel_loop3A_277, %parallel_loop3A_278, %parallel_loop3A_279] {strides = array<i32>} : memref<4x4x2000xf32, #tpu.memory_space<vmem>>, vector<1x1x16xf32>,
        %parallel_loop3A_281 = vector.shape_cast %parallel_loop3A_280 : vector<1x1x16xf32> to vector<16xf32>
        %parallel_loop3A_282 = vector.shape_cast %parallel_loop3A_275 : vector<16xf32> to vector<1x1x16xf32>
        tpu.vector_store %arg13[%parallel_loop3A_277, %parallel_loop3A_278, %parallel_loop3A_279], %parallel_loop3A_282 {strides = array<i32>} : memref<4x4x2000xf32, #tpu.memory_space<vmem>>, vector<1x1x16xf32>,
        %parallel_loop3A_283 = arith.maximumf %broadcast_in_dim3A_68, %parallel_loop3A_224 : vector<16xf32>
        %parallel_loop3A_284 = arith.maximumf %broadcast_in_dim3A_100, %parallel_loop3A_227 : vector<16xf32>
        %parallel_loop3A_285 = arith.minimumf %broadcast_in_dim3A_132, %parallel_loop3A_230 : vector<16xf32>
        %parallel_loop3A_286 = arith.minimumf %broadcast_in_dim3A_164, %parallel_loop3A_233 : vector<16xf32>
        %parallel_loop3A_287 = arith.subf %parallel_loop3A_285, %parallel_loop3A_283 : vector<16xf32>
        %parallel_loop3A_288 = arith.constant 0.000000e+00 : f32
        %parallel_loop3A_289 = vector.broadcast %parallel_loop3A_288 : f32 to vector<16xf32>
        %parallel_loop3A_290 = arith.maximumf %parallel_loop3A_287, %parallel_loop3A_289 : vector<16xf32>
        %parallel_loop3A_291 = arith.subf %parallel_loop3A_286, %parallel_loop3A_284 : vector<16xf32>
        %parallel_loop3A_292 = arith.constant 0.000000e+00 : f32
        %parallel_loop3A_293 = vector.broadcast %parallel_loop3A_292 : f32 to vector<16xf32>
        %parallel_loop3A_294 = arith.maximumf %parallel_loop3A_291, %parallel_loop3A_293 : vector<16xf32>
        %parallel_loop3A_295 = arith.mulf %parallel_loop3A_290, %parallel_loop3A_294 : vector<16xf32>
        %parallel_loop3A_296 = arith.addf %broadcast_in_dim3A_196, %parallel_loop3A_236 : vector<16xf32>
        %parallel_loop3A_297 = arith.subf %parallel_loop3A_296, %parallel_loop3A_295 : vector<16xf32>
        %parallel_loop3A_298 = arith.divf %parallel_loop3A_295, %parallel_loop3A_297 : vector<16xf32>
        %parallel_loop3A_299 = arith.constant 2 : i32
        %parallel_loop3A_300 = arith.index_cast %rem3A_46 : i32 to index
        %parallel_loop3A_301 = arith.index_cast %parallel_loop3A_299 : i32 to index
        %parallel_loop3A_302 = arith.index_cast %parallel_loop3A_221 : i32 to index
        %parallel_loop3A_303 = tpu.vector_load %arg13[%parallel_loop3A_300, %parallel_loop3A_301, %parallel_loop3A_302] {strides = array<i32>} : memref<4x4x2000xf32, #tpu.memory_space<vmem>>, vector<1x1x16xf32>,
        %parallel_loop3A_304 = vector.shape_cast %parallel_loop3A_303 : vector<1x1x16xf32> to vector<16xf32>
        %parallel_loop3A_305 = vector.shape_cast %parallel_loop3A_298 : vector<16xf32> to vector<1x1x16xf32>
        tpu.vector_store %arg13[%parallel_loop3A_300, %parallel_loop3A_301, %parallel_loop3A_302], %parallel_loop3A_305 {strides = array<i32>} : memref<4x4x2000xf32, #tpu.memory_space<vmem>>, vector<1x1x16xf32>,
        %parallel_loop3A_306 = arith.maximumf %broadcast_in_dim3A_76, %parallel_loop3A_224 : vector<16xf32>
        %parallel_loop3A_307 = arith.maximumf %broadcast_in_dim3A_108, %parallel_loop3A_227 : vector<16xf32>
        %parallel_loop3A_308 = arith.minimumf %broadcast_in_dim3A_140, %parallel_loop3A_230 : vector<16xf32>
        %parallel_loop3A_309 = arith.minimumf %broadcast_in_dim3A_172, %parallel_loop3A_233 : vector<16xf32>
        %parallel_loop3A_310 = arith.subf %parallel_loop3A_308, %parallel_loop3A_306 : vector<16xf32>
        %parallel_loop3A_311 = arith.constant 0.000000e+00 : f32
        %parallel_loop3A_312 = vector.broadcast %parallel_loop3A_311 : f32 to vector<16xf32>
        %parallel_loop3A_313 = arith.maximumf %parallel_loop3A_310, %parallel_loop3A_312 : vector<16xf32>
        %parallel_loop3A_314 = arith.subf %parallel_loop3A_309, %parallel_loop3A_307 : vector<16xf32>
        %parallel_loop3A_315 = arith.constant 0.000000e+00 : f32
        %parallel_loop3A_316 = vector.broadcast %parallel_loop3A_315 : f32 to vector<16xf32>
        %parallel_loop3A_317 = arith.maximumf %parallel_loop3A_314, %parallel_loop3A_316 : vector<16xf32>
        %parallel_loop3A_318 = arith.mulf %parallel_loop3A_313, %parallel_loop3A_317 : vector<16xf32>
        %parallel_loop3A_319 = arith.addf %broadcast_in_dim3A_204, %parallel_loop3A_236 : vector<16xf32>
        %parallel_loop3A_320 = arith.subf %parallel_loop3A_319, %parallel_loop3A_318 : vector<16xf32>
        %parallel_loop3A_321 = arith.divf %parallel_loop3A_318, %parallel_loop3A_320 : vector<16xf32>
        %parallel_loop3A_322 = arith.constant 3 : i32
        %parallel_loop3A_323 = arith.index_cast %rem3A_46 : i32 to index
        %parallel_loop3A_324 = arith.index_cast %parallel_loop3A_322 : i32 to index
        %parallel_loop3A_325 = arith.index_cast %parallel_loop3A_221 : i32 to index
        %parallel_loop3A_326 = tpu.vector_load %arg13[%parallel_loop3A_323, %parallel_loop3A_324, %parallel_loop3A_325] {strides = array<i32>} : memref<4x4x2000xf32, #tpu.memory_space<vmem>>, vector<1x1x16xf32>,
        %parallel_loop3A_327 = vector.shape_cast %parallel_loop3A_326 : vector<1x1x16xf32> to vector<16xf32>
        %parallel_loop3A_328 = vector.shape_cast %parallel_loop3A_321 : vector<16xf32> to vector<1x1x16xf32>
        tpu.vector_store %arg13[%parallel_loop3A_323, %parallel_loop3A_324, %parallel_loop3A_325], %parallel_loop3A_328 {strides = array<i32>} : memref<4x4x2000xf32, #tpu.memory_space<vmem>>, vector<1x1x16xf32>,
      } {sc.loop_unroll_factor = 2 : i64, sc.parallel_access}
      %dma_start3A = arith.constant 0 : i32
      %dma_start3A_207 = arith.constant 0 : i32
      %dma_start3A_208 = tpu.memref_slice %arg13[%rem3A_46, %dma_start3A, %dma_start3A_207] : memref<4x4x2000xf32, #tpu.memory_space<vmem>> -> memref<1x4x2000xf32, #tpu.memory_space<vmem>>
      %dma_start3A_209 = tpu.memref_squeeze %dma_start3A_208 : memref<1x4x2000xf32, #tpu.memory_space<vmem>> -> memref<4x2000xf32, #tpu.memory_space<vmem>>
      %dma_start3A_210 = arith.constant 0 : i32
      %dma_start3A_211 = tpu.memref_slice %arg7[%add3A_44, %dma_start3A_210] : memref<2000x2000xf32, #tpu.memory_space<hbm>> -> memref<4x2000xf32, #tpu.memory_space<hbm>>
      %dma_start3A_212 = arith.constant 0 : i32
      %dma_start3A_213 = tpu.memref_slice %arg7[%add3A_44, %dma_start3A_212] : memref<2000x2000xf32, #tpu.memory_space<hbm>> -> memref<4x2000xf32, #tpu.memory_space<hbm>>
      %dma_start3A_214 = arith.constant 0 : i32
      %dma_start3A_215 = arith.constant 0 : i32
      %dma_start3A_216 = tpu.memref_slice %arg13[%rem3A_46, %dma_start3A_214, %dma_start3A_215] : memref<4x4x2000xf32, #tpu.memory_space<vmem>> -> memref<1x4x2000xf32, #tpu.memory_space<vmem>>
      %dma_start3A_217 = tpu.memref_squeeze %dma_start3A_216 : memref<1x4x2000xf32, #tpu.memory_space<vmem>> -> memref<4x2000xf32, #tpu.memory_space<vmem>>
      tpu.enqueue_dma source(%dma_start3A_217 : memref<4x2000xf32, #tpu.memory_space<vmem>>) target(%dma_start3A_213 : memref<4x2000xf32, #tpu.memory_space<hbm>>) target_semaphore(%arg14 : memref<!tpu.dma_semaphore, #tpu.memory_space<semaphore_mem>>)
      %while3A_218 = arith.constant 0 : i32
      scf.yield %while3A_218 : i32
    }
    %scan3A = arith.constant 0 : i32
    %scan3A_34 = arith.constant 0 : i32
    %scan3A_35 = arith.constant 4 : i32
    %scan3A_36 = arith.addi %scan3A_34, %scan3A_35 : i32
    %scan3A_37 = arith.constant 1 : i32
    %scan3A_38 = scf.for %scan3A_40 = %scan3A_34 to %scan3A_36 step %scan3A_37 iter_args(%scan3A_41 = %scan3A) -> (i32)  : i32 {
      %min3A_42 = arith.constant 4 : i32
      %min3A_43 = arith.minsi %select_n3A, %min3A_42 : i32
      %lt3A = arith.cmpi slt, %scan3A_40, %min3A_43 : i32
      %convert_element_type3A = arith.extui %lt3A : i1 to i32
      %cond3A = arith.constant 0 : i32
      %cond3A_44 = arith.cmpi ne, %convert_element_type3A, %cond3A : i32
      scf.if %cond3A_44 {
        %dma_wait3A = arith.constant 0 : i32
        %dma_wait3A_46 = arith.constant 0 : i32
        %dma_wait3A_47 = arith.constant 0 : i32
        %dma_wait3A_48 = tpu.memref_slice %arg13[%dma_wait3A, %dma_wait3A_46, %dma_wait3A_47] : memref<4x4x2000xf32, #tpu.memory_space<vmem>> -> memref<1x4x2000xf32, #tpu.memory_space<vmem>>
        %dma_wait3A_49 = tpu.memref_squeeze %dma_wait3A_48 : memref<1x4x2000xf32, #tpu.memory_space<vmem>> -> memref<4x2000xf32, #tpu.memory_space<vmem>>
        %dma_wait3A_50 = arith.constant 0 : i32
        %dma_wait3A_51 = arith.constant 0 : i32
        %dma_wait3A_52 = tpu.memref_slice %arg7[%dma_wait3A_50, %dma_wait3A_51] : memref<2000x2000xf32, #tpu.memory_space<hbm>> -> memref<4x2000xf32, #tpu.memory_space<hbm>>
        %dma_wait3A_53 = arith.constant 0 : i32
        %dma_wait3A_54 = arith.constant 0 : i32
        %dma_wait3A_55 = tpu.memref_slice %arg13[%dma_wait3A, %dma_wait3A_53, %dma_wait3A_54] : memref<4x4x2000xf32, #tpu.memory_space<vmem>> -> memref<1x4x2000xf32, #tpu.memory_space<vmem>>
        %dma_wait3A_56 = tpu.memref_squeeze %dma_wait3A_55 : memref<1x4x2000xf32, #tpu.memory_space<vmem>> -> memref<4x2000xf32, #tpu.memory_space<vmem>>
        %dma_wait3A_57 = arith.constant 0 : i32
        %dma_wait3A_58 = arith.constant 0 : i32
        %dma_wait3A_59 = tpu.memref_slice %arg7[%dma_wait3A_57, %dma_wait3A_58] : memref<2000x2000xf32, #tpu.memory_space<hbm>> -> memref<4x2000xf32, #tpu.memory_space<hbm>>
        tpu.wait_dma2 semaphore(%arg14 : memref<!tpu.dma_semaphore, #tpu.memory_space<semaphore_mem>>) src(%dma_wait3A_59 : memref<4x2000xf32, #tpu.memory_space<hbm>>) dst(%dma_wait3A_56 : memref<4x2000xf32, #tpu.memory_space<vmem>>)
      } else {
      }
      %scan3A_45 = arith.constant 0 : i32
      scf.yield %scan3A_45 : i32
    }
    %scan3A_39 = arith.constant 4 : i32
    return
  }
}

module attributes {stable_mosaic.version = 14 : i64} {
  func.func @_tc_kernel(%arg0: i32, %arg1: memref<200x4xf32, #tpu.memory_space<vmem>>, %arg2: memref<8x5000xf32, #tpu.memory_space<vmem>>, %arg3: memref<8x2000xf32, #tpu.memory_space<vmem>>, %arg4: memref<200x5000xf32, #tpu.memory_space<vmem>>, %arg5: memref<200x2000xi32, #tpu.memory_space<vmem>>) attributes {dimension_semantics = [#tpu.dimension_semantics<arbitrary>], iteration_bounds = array<i64: 10>, scalar_prefetch = 0 : i64, scratch_operands = 0 : i64, tpu.core_type = #tpu.core_type<tc>, window_params = [{transform_indices = @transform_0, window_bounds = array<i64: 200, 4>}, {pipeline_mode = #tpu.pipeline_mode<synchronous>, transform_indices = @transform_1, window_bounds = array<i64: 8, 5000>}, {pipeline_mode = #tpu.pipeline_mode<synchronous>, transform_indices = @transform_2, window_bounds = array<i64: 8, 2000>}, {transform_indices = @transform_3, window_bounds = array<i64: 200, 5000>}, {transform_indices = @transform_4, window_bounds = array<i64: 200, 2000>}]} {
    %get3A = arith.constant 0 : index
    %get3A_0 = arith.constant 0 : index
    %get3A_1 = vector.load %arg1[%get3A, %get3A_0] : memref<200x4xf32, #tpu.memory_space<vmem>>, vector<200x4xf32>
    %slice3A = vector.extract_strided_slice %get3A_1 {offsets = [0, 0], sizes = [200, 1], strides = [1, 1]} : vector<200x4xf32> to vector<200x1xf32>
    %slice3A_2 = vector.extract_strided_slice %get3A_1 {offsets = [0, 1], sizes = [200, 1], strides = [1, 1]} : vector<200x4xf32> to vector<200x1xf32>
    %slice3A_3 = vector.extract_strided_slice %get3A_1 {offsets = [0, 2], sizes = [200, 1], strides = [1, 1]} : vector<200x4xf32> to vector<200x1xf32>
    %slice3A_4 = vector.extract_strided_slice %get3A_1 {offsets = [0, 3], sizes = [200, 1], strides = [1, 1]} : vector<200x4xf32> to vector<200x1xf32>
    %sub3A = arith.subf %slice3A_3, %slice3A : vector<200x1xf32>
    %sub3A_5 = arith.subf %slice3A_4, %slice3A_2 : vector<200x1xf32>
    %mul3A = arith.mulf %sub3A, %sub3A_5 : vector<200x1xf32>
    %get3A_6 = arith.constant 0 : index
    %get3A_7 = arith.constant 0 : index
    %get3A_8 = vector.load %arg2[%get3A_6, %get3A_7] : memref<8x5000xf32, #tpu.memory_space<vmem>>, vector<8x5000xf32>
    %slice3A_9 = vector.extract_strided_slice %get3A_8 {offsets = [0, 0], sizes = [1, 5000], strides = [1, 1]} : vector<8x5000xf32> to vector<1x5000xf32>
    %max3A = vector.broadcast %slice3A : vector<200x1xf32> to vector<200x5000xf32>
    %max3A_10 = vector.broadcast %slice3A_9 : vector<1x5000xf32> to vector<200x5000xf32>
    %max3A_11 = arith.maximumf %max3A, %max3A_10 : vector<200x5000xf32>
    %slice3A_12 = vector.extract_strided_slice %get3A_8 {offsets = [1, 0], sizes = [1, 5000], strides = [1, 1]} : vector<8x5000xf32> to vector<1x5000xf32>
    %max3A_13 = vector.broadcast %slice3A_2 : vector<200x1xf32> to vector<200x5000xf32>
    %max3A_14 = vector.broadcast %slice3A_12 : vector<1x5000xf32> to vector<200x5000xf32>
    %max3A_15 = arith.maximumf %max3A_13, %max3A_14 : vector<200x5000xf32>
    %slice3A_16 = vector.extract_strided_slice %get3A_8 {offsets = [2, 0], sizes = [1, 5000], strides = [1, 1]} : vector<8x5000xf32> to vector<1x5000xf32>
    %min3A = vector.broadcast %slice3A_3 : vector<200x1xf32> to vector<200x5000xf32>
    %min3A_17 = vector.broadcast %slice3A_16 : vector<1x5000xf32> to vector<200x5000xf32>
    %min3A_18 = arith.minimumf %min3A, %min3A_17 : vector<200x5000xf32>
    %slice3A_19 = vector.extract_strided_slice %get3A_8 {offsets = [3, 0], sizes = [1, 5000], strides = [1, 1]} : vector<8x5000xf32> to vector<1x5000xf32>
    %min3A_20 = vector.broadcast %slice3A_4 : vector<200x1xf32> to vector<200x5000xf32>
    %min3A_21 = vector.broadcast %slice3A_19 : vector<1x5000xf32> to vector<200x5000xf32>
    %min3A_22 = arith.minimumf %min3A_20, %min3A_21 : vector<200x5000xf32>
    %sub3A_23 = arith.subf %min3A_18, %max3A_11 : vector<200x5000xf32>
    %max3A_24 = arith.constant 0.000000e+00 : f32
    %max3A_25 = vector.broadcast %max3A_24 : f32 to vector<200x5000xf32>
    %max3A_26 = arith.maximumf %sub3A_23, %max3A_25 : vector<200x5000xf32>
    %sub3A_27 = arith.subf %min3A_22, %max3A_15 : vector<200x5000xf32>
    %max3A_28 = arith.constant 0.000000e+00 : f32
    %max3A_29 = vector.broadcast %max3A_28 : f32 to vector<200x5000xf32>
    %max3A_30 = arith.maximumf %sub3A_27, %max3A_29 : vector<200x5000xf32>
    %mul3A_31 = arith.mulf %max3A_26, %max3A_30 : vector<200x5000xf32>
    %slice3A_32 = vector.extract_strided_slice %get3A_8 {offsets = [4, 0], sizes = [1, 5000], strides = [1, 1]} : vector<8x5000xf32> to vector<1x5000xf32>
    %add3A = vector.broadcast %mul3A : vector<200x1xf32> to vector<200x5000xf32>
    %add3A_33 = vector.broadcast %slice3A_32 : vector<1x5000xf32> to vector<200x5000xf32>
    %add3A_34 = arith.addf %add3A, %add3A_33 : vector<200x5000xf32>
    %sub3A_35 = arith.subf %add3A_34, %mul3A_31 : vector<200x5000xf32>
    %div3A = arith.divf %mul3A_31, %sub3A_35 : vector<200x5000xf32>
    %swap3A = arith.constant 0 : index
    %swap3A_36 = arith.constant 0 : index
    %swap3A_37 = vector.load %arg4[%swap3A, %swap3A_36] : memref<200x5000xf32, #tpu.memory_space<vmem>>, vector<200x5000xf32>
    tpu.vector_store %arg4[%swap3A, %swap3A_36], %div3A {strides = array<i32>} : memref<200x5000xf32, #tpu.memory_space<vmem>>, vector<200x5000xf32>,
    %get3A_38 = arith.constant 0 : index
    %get3A_39 = arith.constant 0 : index
    %get3A_40 = vector.load %arg3[%get3A_38, %get3A_39] : memref<8x2000xf32, #tpu.memory_space<vmem>>, vector<8x2000xf32>
    %slice3A_41 = vector.extract_strided_slice %get3A_40 {offsets = [0, 0], sizes = [1, 2000], strides = [1, 1]} : vector<8x2000xf32> to vector<1x2000xf32>
    %max3A_42 = vector.broadcast %slice3A : vector<200x1xf32> to vector<200x2000xf32>
    %max3A_43 = vector.broadcast %slice3A_41 : vector<1x2000xf32> to vector<200x2000xf32>
    %max3A_44 = arith.maximumf %max3A_42, %max3A_43 : vector<200x2000xf32>
    %slice3A_45 = vector.extract_strided_slice %get3A_40 {offsets = [1, 0], sizes = [1, 2000], strides = [1, 1]} : vector<8x2000xf32> to vector<1x2000xf32>
    %max3A_46 = vector.broadcast %slice3A_2 : vector<200x1xf32> to vector<200x2000xf32>
    %max3A_47 = vector.broadcast %slice3A_45 : vector<1x2000xf32> to vector<200x2000xf32>
    %max3A_48 = arith.maximumf %max3A_46, %max3A_47 : vector<200x2000xf32>
    %slice3A_49 = vector.extract_strided_slice %get3A_40 {offsets = [2, 0], sizes = [1, 2000], strides = [1, 1]} : vector<8x2000xf32> to vector<1x2000xf32>
    %min3A_50 = vector.broadcast %slice3A_3 : vector<200x1xf32> to vector<200x2000xf32>
    %min3A_51 = vector.broadcast %slice3A_49 : vector<1x2000xf32> to vector<200x2000xf32>
    %min3A_52 = arith.minimumf %min3A_50, %min3A_51 : vector<200x2000xf32>
    %slice3A_53 = vector.extract_strided_slice %get3A_40 {offsets = [3, 0], sizes = [1, 2000], strides = [1, 1]} : vector<8x2000xf32> to vector<1x2000xf32>
    %min3A_54 = vector.broadcast %slice3A_4 : vector<200x1xf32> to vector<200x2000xf32>
    %min3A_55 = vector.broadcast %slice3A_53 : vector<1x2000xf32> to vector<200x2000xf32>
    %min3A_56 = arith.minimumf %min3A_54, %min3A_55 : vector<200x2000xf32>
    %sub3A_57 = arith.subf %min3A_52, %max3A_44 : vector<200x2000xf32>
    %max3A_58 = arith.constant 0.000000e+00 : f32
    %max3A_59 = vector.broadcast %max3A_58 : f32 to vector<200x2000xf32>
    %max3A_60 = arith.maximumf %sub3A_57, %max3A_59 : vector<200x2000xf32>
    %sub3A_61 = arith.subf %min3A_56, %max3A_48 : vector<200x2000xf32>
    %max3A_62 = arith.constant 0.000000e+00 : f32
    %max3A_63 = vector.broadcast %max3A_62 : f32 to vector<200x2000xf32>
    %max3A_64 = arith.maximumf %sub3A_61, %max3A_63 : vector<200x2000xf32>
    %mul3A_65 = arith.mulf %max3A_60, %max3A_64 : vector<200x2000xf32>
    %slice3A_66 = vector.extract_strided_slice %get3A_40 {offsets = [4, 0], sizes = [1, 2000], strides = [1, 1]} : vector<8x2000xf32> to vector<1x2000xf32>
    %add3A_67 = vector.broadcast %mul3A : vector<200x1xf32> to vector<200x2000xf32>
    %add3A_68 = vector.broadcast %slice3A_66 : vector<1x2000xf32> to vector<200x2000xf32>
    %add3A_69 = arith.addf %add3A_67, %add3A_68 : vector<200x2000xf32>
    %sub3A_70 = arith.subf %add3A_69, %mul3A_65 : vector<200x2000xf32>
    %mul3A_71 = arith.constant 2.000000e-01 : f32
    %mul3A_72 = vector.broadcast %mul3A_71 : f32 to vector<200x2000xf32>
    %mul3A_73 = arith.mulf %mul3A_72, %sub3A_70 : vector<200x2000xf32>
    %ge3A = arith.cmpf oge, %mul3A_65, %mul3A_73 : vector<200x2000xf32>
    %swap3A_74 = arith.constant 0 : index
    %swap3A_75 = arith.constant 0 : index
    %swap3A_76 = vector.load %arg5[%swap3A_74, %swap3A_75] : memref<200x2000xi32, #tpu.memory_space<vmem>>, vector<200x2000xi32>
    %swap3A_77 = arith.extui %ge3A : vector<200x2000xi1> to vector<200x2000xi32>
    %swap3A_78 = arith.constant dense<0> : vector<200x2000xi32>
    %swap3A_79 = arith.cmpi ne, %swap3A_76, %swap3A_78 : vector<200x2000xi32>
    tpu.vector_store %arg5[%swap3A_74, %swap3A_75], %swap3A_77 {strides = array<i32>} : memref<200x2000xi32, #tpu.memory_space<vmem>>, vector<200x2000xi32>,
    return
  }
  func.func @transform_0(%arg0: i32) -> (i32, i32) {
    %c0_i32 = arith.constant 0 : i32
    %c0_i32_0 = arith.constant 0 : i32
    return %arg0, %c0_i32 : i32, i32
  }
  func.func @transform_1(%arg0: i32) -> (i32, i32) {
    %c0_i32 = arith.constant 0 : i32
    %c0_i32_0 = arith.constant 0 : i32
    %c0_i32_1 = arith.constant 0 : i32
    return %c0_i32, %c0_i32_0 : i32, i32
  }
  func.func @transform_2(%arg0: i32) -> (i32, i32) {
    %c0_i32 = arith.constant 0 : i32
    %c0_i32_0 = arith.constant 0 : i32
    %c0_i32_1 = arith.constant 0 : i32
    return %c0_i32, %c0_i32_0 : i32, i32
  }
  func.func @transform_3(%arg0: i32) -> (i32, i32) {
    %c0_i32 = arith.constant 0 : i32
    %c0_i32_0 = arith.constant 0 : i32
    return %arg0, %c0_i32 : i32, i32
  }
  func.func @transform_4(%arg0: i32) -> (i32, i32) {
    %c0_i32 = arith.constant 0 : i32
    %c0_i32_0 = arith.constant 0 : i32
    return %arg0, %c0_i32 : i32, i32
  }
}

</mosaic_0001>

<sc_bundles>
// kernel: kernel.4.cloned.1.call-start
scs
__scs_entry_jumppad:
0x0: {  	(pc) =	sbr.rel $0x88, $3  }
0x1: {  	(tag) =	ssettag $0x0;
	lr =	simm.s32 $0x1  }
0x2: {  	[smem:$0x3F9F] =	sst lr;
	_ =	strace $0xD0000000  }
0x3: {  	_ = 	snop  }
0x4: {  	_ = 	snop  }
0x5: {  	_ = 	snop  }
0x6: {  	_ = 	snop  }
0x7: {  	_ = 	snop  }
__scs_overlays_trampoline_lowered:
0x8: {  	[smem:$0x3FAE] =	sst s0  }
0x9: {  	[smem:$0x3FAF] =	sst s1  }
0xa: {  	[smem:$0x3FB0] =	sst s2  }
0xb: {  	[smem:$0x3FB1] =	sst s3  }
0xc: {  	[smem:$0x3FB2] =	sst s4  }
0xd: {  	[smem:$0x3FB3] =	sst s5  }
0xe: {  	[smem:$0x3FB4] =	sst s6  }
0xf: {  	[smem:$0x3FB5] =	sst s7  }
0x10: {  	[smem:$0x3FB6] =	sst s8  }
0x11: {  	[smem:$0x3FB7] =	sst s9;
	s0 =	simm.s32 @!p0 $0x0  }
0x12: {  	s1 =	sld [smem:$0x3F9D];
	s0 =	simm.s32 @p0 $0x1  }
0x13: {  	[smem:$0x3FB8] =	sst s0;
	s0 =	simm.s32 @!p1 $0x0  }
0x14: {  	s2 =	sld [smem:$0x3F9C];
	s0 =	simm.s32 @p1 $0x1  }
0x15: {  	[smem:$0x3FB9] =	sst s0;
	s0 =	simm.s32 @!p2 $0x0  }
0x16: {  	s3 =	sld [smem:$0x3FDB];
	s0 =	simm.s32 @p2 $0x1  }
0x17: {  	s4 =	simm.s32 $0x1BF5;
	[smem:$0x3FBB] =	sst s0  }
0x18: {  	s0 =	sld [smem:$0x3F9E];
	_ =	swait.ge [sflag:s4], $0x0  }
0x19: {  	s7 =	sld [smem:$0x3F9F]  }
0x1a: {  	s8 =	sadd.s32 $0xFFFFE003, lr  }
0x1b: {  	s9 =	sadd.s32 $0xFFFFFEF7, lr;
	s5 =	simm.s32 $0xFFFFFFFF;
	p2 =	slt.u32 s8, $0xFFFFF086  }
0x1c: {  	p1 =	slt.u32 s9, $0xF7A;
	s5 =	simm.s32 @!p2 $0x0  }
0x1d: {  	s5 =	simm.s32 @p1 $0x1;
	p0 =	seq.s32 s7, s2  }
0x1e: {  	s7 =	smul.u32 @!p0 $0xF7A, s2;
	p2 =	seq.s32 @!p0 s5, $0x0  }
0x1f: {  	s9 =	smul.u32 $0xF7A, s1;
	s8 =	simm.s32 @!p0 $0x1BF5;
	p2 =	por !p2, p0  }
0x20: {  	[sflag:s8] =	ssyncset.s32 @!p0 $0xFFFFF086;
	s6 =	sadd.s32 @!p0 s3, s7;
	s7 =	simm.s32 @!p0 $0x108  }
0x21: {  	s3 =	sadd.s32 s3, s9;
	s6 =	sadd.s32 @!p0 $0x88, s6;
	s7 =	simm.s32 @p2 $0x1082  }
0x22: {  	[simem:s7], [sflag:s8] =	dma.local @!p0 [hbm:s6], $0xF7A  }
0x23: {  	s9 =	sor.u32 $0xD0000000, s2;
	s6 =	simm.s32 $0x108;
	_ =	swait.ge @!p0 [sflag:s8], $0x0  }
0x24: {  	s3 =	sadd.s32 $0x88, s3;
	s6 =	simm.s32 @!p1 $0x1082;
	[sflag:s4] =	ssyncset.s32 $0xFFFFF086  }
0x25: {  	[simem:s6], [sflag:s4] =	dma.local [hbm:s3], $0xF7A  }
0x26: {  	[smem:$0x3F9F] =	sst s1;
	(tag) =	ssettag s2;
	_ =	strace s9  }
0x27: {  	s1 =	sld [smem:$0x3FAF]  }
0x28: {  	s2 =	sld [smem:$0x3FB0]  }
0x29: {  	s4 =	sld [smem:$0x3FB2]  }
0x2a: {  	p0 =	seq.s32 s5, $0x0;
	s5 =	sld [smem:$0x3FB3]  }
0x2b: {  	s6 =	sld [smem:$0x3FB4]  }
0x2c: {  	s7 =	sld [smem:$0x3FB5]  }
0x2d: {  	s3 =	simm.s32 $0x108;
	s8 =	sld [smem:$0x3FB6]  }
0x2e: {  	s3 =	simm.s32 @!p0 $0x1082;
	s9 =	sld [smem:$0x3FB7]  }
0x2f: {  	lr =	sadd.s32 s0, s3;
	s0 =	sld [smem:$0x3FAE]  }
0x30: {  	s3 =	sld [smem:$0x3FB1]  }
0x31: {  	[smem:$0x3FBA] =	sst s10  }
0x32: {  	s10 =	sld [smem:$0x3FB8];
	_ =	sdelay $0x3  }
0x33: {  	p0 =	seq.s32 s10, $0x1;
	s10 =	sld [smem:$0x3FBA];
	_ =	sdelay $0x3  }
0x34: {  	[smem:$0x3FBA] =	sst s10  }
0x35: {  	s10 =	sld [smem:$0x3FB9];
	_ =	sdelay $0x3  }
0x36: {  	p1 =	seq.s32 s10, $0x1;
	s10 =	sld [smem:$0x3FBA];
	_ =	sdelay $0x3  }
0x37: {  	[smem:$0x3FBA] =	sst s10  }
0x38: {  	s10 =	sld [smem:$0x3FBB]  }
0x39: {  	_ = 	snop;
	(pc) =	sbr.ind lr, $3  }
0x3a: {  	_ = 	snop  }
0x3b: {  	_ = 	snop  }
0x3c: {  	p2 =	seq.s32 s10, $0x1;
	s10 =	sld [smem:$0x3FBA]  }
0x3d: {  	_ =	shalt  }
0x3e: {  	_ =	shalt  }
0x3f: {  	_ =	shalt  }
0x40: {  	_ =	shalt  }
0x41: {  	_ =	shalt  }
0x42: {  	_ =	shalt  }
0x43: {  	_ =	shalt  }
0x44: {  	_ =	shalt  }
0x45: {  	_ =	shalt  }
0x46: {  	_ =	shalt  }
0x47: {  	_ =	shalt  }
0x48: {  	_ =	shalt  }
0x49: {  	_ =	shalt  }
0x4a: {  	_ =	shalt  }
0x4b: {  	_ =	shalt  }
0x4c: {  	_ =	shalt  }
0x4d: {  	_ =	shalt  }
0x4e: {  	_ =	shalt  }
0x4f: {  	_ =	shalt  }
0x50: {  	_ =	shalt  }
0x51: {  	_ =	shalt  }
0x52: {  	_ =	shalt  }
0x53: {  	_ =	shalt  }
0x54: {  	_ =	shalt  }
0x55: {  	_ =	shalt  }
0x56: {  	_ =	shalt  }
0x57: {  	_ =	shalt  }
0x58: {  	_ =	shalt  }
0x59: {  	_ =	shalt  }
0x5a: {  	_ =	shalt  }
0x5b: {  	_ =	shalt  }
0x5c: {  	_ =	shalt  }
0x5d: {  	_ =	shalt  }
0x5e: {  	_ =	shalt  }
0x5f: {  	_ =	shalt  }
0x60: {  	_ =	shalt  }
0x61: {  	_ =	shalt  }
0x62: {  	_ =	shalt  }
0x63: {  	_ =	shalt  }
0x64: {  	_ =	shalt  }
0x65: {  	_ =	shalt  }
0x66: {  	_ =	shalt  }
0x67: {  	_ =	shalt  }
0x68: {  	_ =	shalt  }
0x69: {  	_ =	shalt  }
0x6a: {  	_ =	shalt  }
0x6b: {  	_ =	shalt  }
0x6c: {  	_ =	shalt  }
0x6d: {  	_ =	shalt  }
0x6e: {  	_ =	shalt  }
0x6f: {  	_ =	shalt  }
0x70: {  	_ =	shalt  }
0x71: {  	_ =	shalt  }
0x72: {  	_ =	shalt  }
0x73: {  	_ =	shalt  }
0x74: {  	_ =	shalt  }
0x75: {  	_ =	shalt  }
0x76: {  	_ =	shalt  }
0x77: {  	_ =	shalt  }
0x78: {  	_ =	shalt  }
0x79: {  	_ =	shalt  }
0x7a: {  	_ =	shalt  }
0x7b: {  	_ =	shalt  }
0x7c: {  	_ =	shalt  }
0x7d: {  	_ =	shalt  }
0x7e: {  	_ =	shalt  }
0x7f: {  	_ =	shalt  }
0x80: {  	_ =	shalt  }
0x81: {  	_ =	shalt  }
0x82: {  	_ =	shalt  }
0x83: {  	_ =	shalt  }
0x84: {  	_ =	shalt  }
0x85: {  	_ =	shalt  }
0x86: {  	_ =	shalt  }
0x87: {  	_ =	shalt  }
.Lfunc_end0:
.L_simem_size_0:
called_computation_lowered:
.L_overlay_start_0:
0x88: {  	s2 =	sld [smem:$0x3FD9]  }
0x89: {  	s3 =	sld [smem:$0x3FFE];
	_ =	sdelay $0x1  }
0x8a: {  	s1 =	srdreg.scid  }
0x8b: {  	s0 =	sand.u32 $0x1, s1  }
0x8c: {  	s14 =	sshll.u32 s0, $0xA;
	s2 =	sadd.s32 s3, s2  }
0x8d: {  	s2 =	sadd.s32 s2, s14  }
0x8e: {  	[smem:$0x3FC6] =	sst s2  }
0x8f: {  	_ = 	snop  }
0x90: {  	s2 =	sld [smem:$0x3FD0];
	_ =	sdelay $0x2  }
0x91: {  	s15 =	simm.s32 $0xA;
	s4 =	simm.s32 $0x10  }
0x92: {  	[smem:s4], [sflag:s15] =	dma.local [hbm:s2], $0x1  }
0x93: {  	_ =	swait.eq [sflag:s15], $0x1  }
0x94: {  	[sflag:s15] =	ssyncset.done $0x0  }
0x95: {  	[sflag:s15] =	ssyncadd.s32 $0xFFFFFFFF  }
0x96: {  	s16 =	sld [smem:$0x11];
	(tm) =	ssettm $0x1  }
0x97: {  	s17 =	sld [smem:$0x3FFB];
	_ =	sdelay $0x3  }
0x98: {  	_ =	strace s17  }
0x99: {  	s3 =	sld [smem:$0x3FFC];
	_ =	sdelay $0x3  }
0x9a: {  	_ =	strace s3  }
0x9b: {  	s3 =	sld [smem:$0x3FFD];
	_ =	sdelay $0x3  }
0x9c: {  	_ =	strace s3  }
0x9d: {  	_ =	strace $0x8FFFFFFF  }
0x9e: {  	s18 =	sld [smem:$0x3FDB];
	_ =	sdelay $0x1  }
0x9f: {  	s19 =	simm.s32 $_scs_section_size  }
0xa0: {  	s5 =	simm.s32 $_size__tile_overlayer_lowered;
	s6 =	simm.s32 $_tile_overlayer_lowered  }
0xa1: {  	s22 =	simm.s32 $0x1BFF;
	s21 =	sshll.u32 s6, $0x1;
	s3 =	sadd.s32 s19, s18  }
0xa2: {  	s7 =	simm.s32 $0x0;
	s20 =	sshll.u32 s5, $0x1;
	s5 =	sadd.s32 s21, s3  }
0xa3: {  	[timem:s7], [sflag:s22] =	dma.local [hbm:s5], s20  }
0xa4: {  	_ =	swait.ge [sflag:s22], s20  }
0xa5: {  	s4 =	ssub.s32 $0x0, s20;
	[sflag:s22] =	ssyncset.done $0x0  }
0xa6: {  	[sflag:s22] =	ssyncadd.s32 s4;
	_ =	sdelay $0x1  }
0xa7: {  	s23 =	simm.s32 $0x1B8B  }
0xa8: {  	_ =	swait.ge [sflag:s23], $0x1  }
0xa9: {  	[sflag:s23] =	ssyncset.done $0x0  }
0xaa: {  	s25 =	simm.s32 $0x1B8E;
	s24 =	sld [smem:$0x3FFE];
	[sflag:s23] =	ssyncadd.s32 $0xFFFFFFFF  }
0xab: {  	s26 =	simm.s32 $execute0_lowered;
	[smem:$0x3FD2] =	sst s25  }
0xac: {  	s5 =	sshll.u32 s26, $0x1;
	_ =	strace $0x80000046;
	[dreg:$0x1] =	wrdreg $0xFFFFFFFF  }
0xad: {  	s28 =	simm.s32 $_size_execute0_lowered;
	s3 =	sadd.s32 s3, s5;
	[dreg:$0x0] =	wrdreg $0x0  }
0xae: {  	s5 =	sshll.u32 s28, $0x1;
	[dreg:$0x2] =	wrdreg s3  }
0xaf: {  	[dreg:$0x3] =	wrdreg s5  }
0xb0: {  	[dreg:$0x4] =	wrdreg $0xC0  }
0xb1: {  	_ =	task [dreg:s7], $0x5FFFF  }
0xb2: {  	[dreg:$0x1] =	wrdreg $0xFFFFFFFF  }
0xb3: {  	[dreg:$0x0] =	wrdreg $0x60  }
0xb4: {  	[dreg:$0x2] =	wrdreg s24  }
0xb5: {  	[dreg:$0x3] =	wrdreg s16  }
0xb6: {  	[dreg:$0x4] =	wrdreg $0x9  }
0xb7: {  	_ =	task.clear_ibuf [dreg:s7], $0x5FFFF;
	_ =	strace $0x90000046  }
0xb8: {  	s29 =	simm.s32 $0x9;
	_ =	strace $0x80000048  }
0xb9: {  	_ =	swait.ge [sflag:s29], $0x1  }
0xba: {  	[sflag:s29] =	ssyncadd.s32 $0xFFFFFFFF  }
0xbb: {  	_ =	strace $0x90000048  }
0xbc: {  	_ =	sfence  }
0xbd: {  	s30 =	sld [smem:$0x0];
	_ =	sdelay $0x2  }
0xbe: {  	s31 =	sshll.u32 s1, $0xD;
	s1 =	sshrl.u32 s1, $0x2  }
0xbf: {  	s3 =	sand.u32 $0x4000, s31;
	s1 =	sadd.s32 s1, s30  }
0xc0: {  	s0 =	sor.u32 s3, s0;
	s1 =	sshll.u32 s1, $0x11  }
0xc1: {  	s0 =	sor.u32 s1, s0  }
0xc2: {  	s0 =	sadd.s32 $0x8F2B, s0  }
0xc3: {  	[sflag:s0] =	ssyncadd.remote.s32 $0x1  }
0xc4: {  	_ =	sfence.sel $0xFFFF  }
0xc5: {  	[dreg:$0x0] =	wrdreg $0xFFFFFFFF;
	(pc) =	sbr.abs _section_cstart, $3  }
0xc6: {  	[dreg:$0x1] =	wrdreg $0xFFFFFFFF  }
0xc7: {  	_ =	task.clear_ibuf [dreg:s7], $0x2FFFF;
	_ =	strace $0x9FFFFFFF  }
0xc8: {  	(tm) =	ssettm $0x7FFFFFFF  }
0xc9: {  	_ =	shalt  }
tec
execute0_lowered:
.L_overlay_start_1:
0x0: {  	(tag) =	ssettag $0x1  }
0x1: {  	s0 =	rddreg [dreg:$0x0]  }
0x2: {  	s1 =	rddreg [dreg:$0x1];
	s3 =	simm.s32 $0x0;
	s2 =	srdreg.scid  }
0x3: {  	s5 =	stileid.u32;
	s12 =	simm.s32 $0x2;
	s17 =	simm.s32 $0x200  }
0x4: {  	s18 =	simm.s32 $0x400;
	s19 =	simm.s32 $0x1;
	s20 =	simm.s32 $0x0  }
0x5: {  	[smem:$0x7FF] =	sst s3;
	s2 =	sand.u32 $0x1, s2;
	s4 =	sadd.s32 $0x1400, s0  }
0x6: {  	s7 =	sshll.u32 s5, $0x6;
	s5 =	sadd.s32 $0x1800, s0;
	s6 =	sshll.u32 s2, $0xA  }
0x7: {  	s8 =	sadd.s32 $0x1200, s0;
	s2 =	ssub.s32 $0x2, s2;
	s6 =	sor.u32 s7, s6  }
0x8: {  	_ =	strace $0x80000047;
	s9 =	sshrl.u32 s2, $0x1;
	s10 =	sxor.u32 $0x7D0, s6  }
0x9: {  	s7 =	sadd.s32 $0x1600, s0;
	s2 =	ssub.s32 s2, s9;
	s10 =	smin.u32 s10, $0x40  }
0xa: {  	s9 =	sadd.s32 $0x1A00, s0;
	s11 =	smax.u32 s2, $0x1;
	s10 =	sshrl.u32 s10, $0x2  }
.LBB2_1:
0xb: {  	[tilespmem:s3], [sflag:$0x2] =	stream.linear.gather [hbm4b:s4+s3], $0x800, $0x38;
	[tilespmem:$0xA800] =	vst v63  }
0xc: {  	_ =	swait.ge [sflag:s12], $0x800  }
0xd: {  	[sflag:s12] =	ssyncset.done $0x0  }
0xe: {  	s0 =	simm.s32 $0x800;
	[sflag:s12] =	ssyncadd.s32 $0xFFFFF800  }
0xf: {  	[tilespmem:s0], [sflag:$0x2] =	stream.linear.gather [hbm4b:s5+s3], $0x800, $0x38;
	[tilespmem:$0xA800] =	vst v63  }
0x10: {  	_ =	swait.ge [sflag:s12], $0x800  }
0x11: {  	[sflag:s12] =	ssyncset.done $0x0  }
0x12: {  	s29 =	simm.s32 $0x1000;
	[sflag:s12] =	ssyncadd.s32 $0xFFFFF800  }
0x13: {  	[tilespmem:s29], [sflag:$0x2] =	stream.linear.gather [hbm4b:s7+s3], $0x800, $0x38;
	[tilespmem:$0xA800] =	vst v63  }
0x14: {  	_ =	swait.ge [sflag:s12], $0x800  }
0x15: {  	[sflag:s12] =	ssyncset.done $0x0  }
0x16: {  	s30 =	simm.s32 $0x1800;
	[sflag:s12] =	ssyncadd.s32 $0xFFFFF800  }
0x17: {  	[tilespmem:s30], [sflag:$0x2] =	stream.linear.gather [hbm4b:s8+s3], $0x800, $0x38;
	[tilespmem:$0xA800] =	vst v63  }
0x18: {  	_ =	swait.ge [sflag:s12], $0x800  }
0x19: {  	[sflag:s12] =	ssyncset.done $0x0  }
0x1a: {  	s31 =	simm.s32 $0x2000;
	[sflag:s12] =	ssyncadd.s32 $0xFFFFF800  }
0x1b: {  	[tilespmem:s31], [sflag:$0x2] =	stream.linear.gather [hbm4b:s9+s3], $0x800, $0x38;
	[tilespmem:$0xA800] =	vst v63  }
0x1c: {  	_ =	swait.ge [sflag:s12], $0x800  }
0x1d: {  	[sflag:s12] =	ssyncset.done $0x0  }
0x1e: {  	s21 =	simm.s32 $0x0;
	[sflag:s12] =	ssyncadd.s32 $0xFFFFF800  }
.LBB2_2:
0x1f: {  	p0 =	slt.u32 s21, $0x4  }
0x20: {  	s0 =	simm.s32 @!p0 $0x1  }
0x21: {  	_ =	swait.ge @!p0 [sflag:s0], $0x2000  }
0x22: {  	s2 =	sshll.u32 s21, $0x2;
	[sflag:s0] =	ssyncset.done @!p0 $0x0  }
0x23: {  	s22 =	sadd.s32 s6, s2;
	[sflag:s0] =	ssyncadd.s32 @!p0 $0xFFFFE000  }
0x24: {  	s16 =	sor.u32 $0x1, s22;
	v11 =	vld.msk [tilespmem:s22+$0x0 ss:$0x0], $0xffff  }
0x25: {  	s23 =	sor.u32 $0x2, s22;
	v7 =	vld.msk [tilespmem:s16+$0x0 ss:$0x0], $0xffff  }
0x26: {  	s24 =	sor.u32 $0x3, s22;
	v5 =	vld.msk [tilespmem:s23+$0x0 ss:$0x0], $0xffff  }
0x27: {  	v1 =	vld.msk [tilespmem:s24+$0x0 ss:$0x0], $0xffff  }
0x28: {  	v15 =	vld.msk [tilespmem:s22+$0x800 ss:$0x0], $0xffff  }
0x29: {  	v9 =	vld.msk [tilespmem:s22+$0x801 ss:$0x0], $0xffff  }
0x2a: {  	v4 =	vld.msk [tilespmem:s22+$0x802 ss:$0x0], $0xffff  }
0x2b: {  	v2 =	vld.msk [tilespmem:s22+$0x803 ss:$0x0], $0xffff  }
0x2c: {  	v16 =	vld.msk [tilespmem:s22+$0x1000 ss:$0x0], $0xffff  }
0x2d: {  	v12 =	vld.msk [tilespmem:s22+$0x1001 ss:$0x0], $0xffff  }
0x2e: {  	v10 =	vld.msk [tilespmem:s22+$0x1002 ss:$0x0], $0xffff  }
0x2f: {  	v3 =	vld.msk [tilespmem:s22+$0x1003 ss:$0x0], $0xffff  }
0x30: {  	v18 =	vld.msk [tilespmem:s22+$0x1800 ss:$0x0], $0xffff  }
0x31: {  	v14 =	vld.msk [tilespmem:s22+$0x1801 ss:$0x0], $0xffff  }
0x32: {  	v8 =	vld.msk [tilespmem:s22+$0x1802 ss:$0x0], $0xffff  }
0x33: {  	v6 =	vld.msk [tilespmem:s22+$0x1803 ss:$0x0], $0xffff  }
0x34: {  	v17 =	vld.msk [tilespmem:s22+$0x2000 ss:$0x0], $0xffff  }
0x35: {  	s25 =	simm.s32 $0x0;
	v0 =	vld.msk [tilespmem:s22+$0x2003 ss:$0x0], $0xffff  }
0x36: {  	v21 =	vld [tilespmem:s25+$0x2000]  }
0x37: {  	s30 =	simm.s32 $0x0;
	v20 =	vld [tilespmem:s25+$0x1000]  }
0x38: {  	s28 =	sand.u32 $0x60, s30;
	v19 =	vld [tilespmem:s25+$0x1800]  }
0x39: {  	s26 =	sand.u32 $0x780, s30;
	s29 =	sor.u32 $0x10, s28;
	v22 =	vld [tilespmem:s25+$0x800]  }
0x3a: {  	s2 =	sor.u32 s26, s29;
	v23 =	vld [tilespmem:s25+$0x0]  }
0x3b: {  	v24 =	vld [tilespmem:s2+$0x1000]  }
0x3c: {  	v27 =	vld [tilespmem:s2+$0x0];
	v25 =	vadd.f32 v21, v17  }
0x3d: {  	v13 =	vld.msk [tilespmem:s22+$0x2001 ss:$0x0], $0xffff;
	v26 =	vadd.f32 v21, v0;
	v28 =	vmin.f32 v12, v20;
	v29 =	vmin.f32 v18, v19  }
0x3e: {  	v35 =	vld [tilespmem:s2+$0x2000];
	v30 =	vmin.f32 v3, v20;
	v31 =	vmin.f32 v6, v19;
	v32 =	vmax.f32 v15, v22  }
0x3f: {  	v39 =	vld [tilespmem:s2+$0x1800];
	v34 =	vmax.f32 v9, v22;
	v33 =	vmax.f32 v11, v23;
	v36 =	vmax.f32 v7, v23  }
0x40: {  	v38 =	vld [tilespmem:s2+$0x800];
	v37 =	vmin.f32 v14, v19;
	v40 =	vmax.f32 v4, v22;
	v41 =	vmax.f32 v1, v23  }
0x41: {  	v42 =	vmin.f32 v16, v24;
	v43 =	vmin.f32 v10, v24;
	v44 =	vmin.f32 v8, v19  }
0x42: {  	v19 =	vmax.f32 v5, v27;
	v45 =	vmax.f32 v1, v27;
	v22 =	vmax.f32 v2, v22  }
0x43: {  	v46 =	vmax.f32 v11, v27;
	v47 =	vadd.f32 v35, v13;
	v27 =	vmax.f32 v7, v27  }
0x44: {  	v48 =	vmin.f32 v12, v24;
	v24 =	vmin.f32 v3, v24;
	v49 =	vmin.f32 v6, v39  }
0x45: {  	v50 =	vmin.f32 v16, v20;
	v58 =	vmax.f32 v4, v38;
	v60 =	vmax.f32 v15, v38  }
0x46: {  	v61 =	vmin.f32 v18, v39;
	v43 =	vsub.f32 v43, v19;
	v24 =	vsub.f32 v24, v45  }
0x47: {  	v62 =	vmin.f32 v8, v39;
	v59 =	vsub.f32 v50, v33;
	v29 =	vsub.f32 v29, v32  }
0x48: {  	v23 =	vmax.f32 v5, v23;
	v42 =	vsub.f32 v42, v46;
	v32 =	vsub.f32 v61, v60  }
0x49: {  	v52 =	vmin.f32 v10, v20;
	v28 =	vsub.f32 v28, v36;
	v22 =	vsub.f32 v31, v22  }
0x4a: {  	v53 =	vmin.f32 v14, v39;
	v46 =	vadd.f32 v35, v17;
	v51 =	vsub.f32 v62, v58  }
0x4b: {  	v19 =	vmax.f32 v2, v38;
	v20 =	vsub.f32 v48, v27;
	v57 =	vsub.f32 v44, v40  }
0x4c: {  	v27 =	vmax.f32 v9, v38;
	v30 =	vsub.f32 v30, v41;
	v23 =	vsub.f32 v52, v23  }
0x4d: {  	v19 =	vsub.f32 v49, v19;
	v27 =	vsub.f32 v53, v27;
	v29 =	vmax.f32 v29, $0.0e+00  }
0x4e: {  	v32 =	vmax.f32 v32, $0.0e+00;
	v28 =	vmax.f32 v28, $0.0e+00;
	v24 =	vmax.f32 v24, $0.0e+00  }
0x4f: {  	v36 =	vmax.f32 v51, $0.0e+00;
	v63 =	vmax.f32 v19, $0.0e+00;
	v19 =	vmax.f32 v42, $0.0e+00  }
0x50: {  	v31 =	vmul.f32 v32, v19;
	v19 =	vld.msk [tilespmem:s22+$0x2002 ss:$0x0], $0xffff;
	v33 =	vmul.f32 v63, v24;
	v24 =	vadd.f32 v35, v0  }
0x51: {  	v54 =	vmax.f32 v20, $0.0e+00;
	v20 =	vmax.f32 v43, $0.0e+00;
	v55 =	vmax.f32 v59, $0.0e+00  }
0x52: {  	s13 =	simm.s32 $0x20;
	v59 =	vadd.f32 v21, v13;
	v22 =	vmax.f32 v22, $0.0e+00;
	v24 =	vsub.f32 v24, v33  }
0x53: {  	s14 =	simm.s32 $0x20;
	s23 =	sand.u32 $0x60, s13;
	v23 =	vmax.f32 v23, $0.0e+00;
	v27 =	vmax.f32 v27, $0.0e+00;
	v29 =	vmul.f32 v29, v55  }
0x54: {  	s0 =	sand.u32 $0x780, s13;
	s24 =	sor.u32 $0x10, s23;
	v39 =	vld [tilespmem:s14+$0x0];
	v32 =	vsub.f32 v46, v31;
	(erf) = vrcp.f32 v24;
	v24 =	vsub.f32 v37, v34  }
0x55: {  	s0 =	sor.u32 s0, s24;
	v41 =	vld [tilespmem:s14+$0x800];
	v20 =	vmul.f32 v36, v20;
	v27 =	vmul.f32 v27, v54;
	v35 =	vadd.f32 v35, v19  }
0x56: {  	v36 =	vld [tilespmem:s0+$0x1800];
	v25 =	vsub.f32 v25, v29;
	(erf) = vrcp.f32 v32;
	v24 =	vmax.f32 v24, $0.0e+00  }
0x57: {  	v37 =	vld [tilespmem:s14+$0x1800];
	v32 =	vmax.f32 v57, $0.0e+00;
	v56 =	vsub.f32 v35, v20;
	v24 =	vmul.f32 v24, v28  }
0x58: {  	v58 =	vsub.f32 v47, v27;
	v40 =	vmul.f32 v32, v23;
	v23 =	vld [tilespmem:s0+$0x800];
	v28 =	vmax.f32 v30, $0.0e+00  }
0x59: {  	v35 =	vld [tilespmem:s14+$0x1000];
	v28 =	vmul.f32 v22, v28;
	(erf) = vrcp.f32 v56;
	v34 =	vsub.f32 v59, v24  }
0x5a: {  	v30 =	vld [tilespmem:s0+$0x1000];
	(erf) = vrcp.f32 v58  }
0x5b: {  	v22 =	vadd.f32 v21, v19;
	v21 =	vsub.f32 v26, v28;
	(erf) = vrcp.f32 v25;
	v25 =	vld [tilespmem:s0+$0x0]  }
0x5c: {  	v60 =	vmax.f32 v11, v39;
	v51 =	vmax.f32 v15, v41;
	(erf) = vrcp.f32 v34  }
0x5d: {  	v55 =	vmin.f32 v6, v36;
	v34 =	vpop (erf);
	(erf) = vrcp.f32 v21;
	v21 =	vmax.f32 v2, v23  }
0x5e: {  	v38 =	vmin.f32 v18, v37;
	v59 =	vmin.f32 v6, v37;
	v48 =	vsub.f32 v55, v21;
	v21 =	vld [tilespmem:s14+$0x2000];
	[tilespmem:$0x1FF80] =	vst v6  }
0x5f: {  	v61 =	vmin.f32 v16, v30;
	v62 =	vmin.f32 v10, v30;
	v54 =	vmin.f32 v3, v30;
	v26 =	vpop (erf);
	[tilespmem:$0x1FF90] =	vst v2  }
0x60: {  	v57 =	vmin.f32 v16, v35;
	[tilespmem:$0x1FFA0] =	vst v3;
	v45 =	vmul.f32 v26, v31;
	v26 =	vmax.f32 v5, v25  }
0x61: {  	v30 =	vmin.f32 v12, v30;
	[tilespmem:$0x1FFB0] =	vst v4;
	v31 =	vmax.f32 v1, v25;
	v44 =	vsub.f32 v62, v26  }
0x62: {  	[tilespmem:$0x1FFC0] =	vst v7;
	v63 =	vmax.f32 v11, v25;
	v47 =	vsub.f32 v54, v31;
	v31 =	vsub.f32 v57, v60  }
0x63: {  	v53 =	vld [tilespmem:s0+$0x2000];
	v25 =	vmax.f32 v7, v25;
	v43 =	vsub.f32 v61, v63;
	v60 =	vsub.f32 v38, v51  }
0x64: {  	v32 =	vmin.f32 v12, v35;
	v62 =	vsub.f32 v22, v40;
	v25 =	vsub.f32 v30, v25;
	v26 =	vpop (erf)  }
0x65: {  	v61 =	vmin.f32 v18, v36;
	v63 =	vmax.f32 v4, v23;
	v30 =	vmin.f32 v8, v37;
	v56 =	vpop (erf)  }
0x66: {  	v22 =	vadd.f32 v21, v17;
	(erf) = vrcp.f32 v62;
	v25 =	vmax.f32 v25, $0.0e+00;
	v58 =	vpop (erf)  }
0x67: {  	s15 =	sshll.u32 s21, $0xD;
	v57 =	vmax.f32 v47, $0.0e+00;
	v49 =	vmul.f32 v56, v27;
	v42 =	vmul.f32 v58, v29  }
0x68: {  	s25 =	sand.u32 $0x6000, s15;
	v27 =	vpop (erf);
	v29 =	vmax.f32 v15, v23;
	v23 =	vmax.f32 v9, v23;
	v58 =	vadd.f32 v53, v13  }
0x69: {  	s16 =	sand.u32 $0x1E00, s30;
	s26 =	sadd.s32 $0x2800, s25;
	v51 =	vmul.f32 v27, v24;
	v24 =	vmax.f32 v7, v39;
	v27 =	vsub.f32 v61, v29  }
0x6a: {  	[tilespmem:$0x1FFD0] =	vst v1;
	s0 =	sadd.s32 s16, s26;
	v29 =	vmax.f32 v2, v41;
	v61 =	vadd.f32 v53, v17;
	v52 =	vsub.f32 v32, v24  }
0x6b: {  	[tilespmem:$0x1FFE0] =	vst v5;
	s2 =	sadd.s32 s28, s0;
	v32 =	vsub.f32 v59, v29;
	v24 =	vmin.f32 v3, v35;
	v29 =	vmax.f32 v43, $0.0e+00  }
0x6c: {  	[tilespmem:s2+$0x0] =	vst v42;
	v42 =	vmul.f32 v34, v33;
	v43 =	vadd.f32 v53, v19;
	v27 =	vmax.f32 v27, $0.0e+00  }
0x6d: {  	v27 =	vmul.f32 v27, v29;
	v29 =	vmin.f32 v8, v36;
	v36 =	vmin.f32 v14, v36  }
0x6e: {  	v3 =	vpop (erf);
	v2 =	vsub.f32 v29, v63;
	v29 =	vmax.f32 v4, v41;
	v23 =	vsub.f32 v36, v23  }
0x6f: {  	v4 =	vmul.f32 v3, v28;
	v28 =	vmax.f32 v1, v39;
	v63 =	vadd.f32 v53, v0  }
0x70: {  	v34 =	vmax.f32 v52, $0.0e+00;
	v54 =	vsub.f32 v30, v29;
	v38 =	vsub.f32 v24, v28  }
0x71: {  	v24 =	vadd.f32 v21, v0;
	v29 =	vmax.f32 v5, v39;
	v30 =	vmin.f32 v10, v35  }
0x72: {  	s30 =	sadd.s32 s29, s0;
	v35 =	vmax.f32 v60, $0.0e+00;
	v60 =	vmax.f32 v44, $0.0e+00;
	v39 =	vsub.f32 v61, v27  }
0x73: {  	[tilespmem:s30+$0x0] =	vst v45;
	v23 =	vmax.f32 v23, $0.0e+00;
	v55 =	vsub.f32 v30, v29;
	v29 =	vmax.f32 v9, v41  }
0x74: {  	[tilespmem:s30+$0x80] =	vst v49;
	v62 =	vpop (erf);
	v30 =	vmin.f32 v14, v37;
	v28 =	vmul.f32 v23, v25;
	v23 =	vmax.f32 v48, $0.0e+00  }
0x75: {  	[tilespmem:$0x1FFF0] =	vst v0;
	v59 =	vmax.f32 v2, $0.0e+00;
	v33 =	vmul.f32 v62, v40;
	v23 =	vmul.f32 v23, v57  }
0x76: {  	s31 =	simm.s32 $0x100;
	[tilespmem:s2+$0x80] =	vst v51;
	v25 =	vadd.f32 v21, v19;
	v36 =	vmul.f32 v59, v60;
	v37 =	vmax.f32 v54, $0.0e+00  }
0x77: {  	s28 =	simm.s32 $0x80;
	s29 =	simm.s32 $0x2;
	s0 =	simm.s32 $0x40;
	[tilespmem:s2+$0x180] =	vst v4;
	v40 =	vmax.f32 v55, $0.0e+00;
	v41 =	vsub.f32 v58, v28;
	v44 =	vsub.f32 v63, v23  }
.LBB2_3:
0x78: {  	v3 =	vld [tilespmem:$0x1FFF0]  }
0x79: {  	v5 =	vld [tilespmem:$0x1FFA0]  }
0x7a: {  	v7 =	vld [tilespmem:$0x1FF80]  }
0x7b: {  	v2 =	vld [tilespmem:$0x1FFC0]  }
0x7c: {  	v1 =	vld [tilespmem:$0x1FFB0]  }
0x7d: {  	v63 =	vld [tilespmem:$0x1FFD0]  }
0x7e: {  	s15 =	sshra.s32 s31, $0x2;
	v31 =	vmax.f32 v31, $0.0e+00;
	v26 =	vmul.f32 v26, v20;
	v6 =	vld [tilespmem:$0x1FFE0]  }
0x7f: {  	v29 =	vsub.f32 v30, v29;
	v38 =	vmax.f32 v38, $0.0e+00;
	v61 =	vld [tilespmem:s15+$0x2000];
	(erf) = vrcp.f32 v44;
	[tilespmem:s2+$0x100] =	vst v33  }
0x80: {  	[tilespmem:s30+$0x180] =	vst v42;
	v20 =	vmovc v36;
	v35 =	vmul.f32 v35, v31;
	v31 =	vmax.f32 v32, $0.0e+00;
	v33 =	vmul.f32 v37, v40;
	v42 =	vld [tilespmem:s15+$0x1000]  }
0x81: {  	s13 =	sand.u32 $0x60, s0;
	v30 =	vsub.f32 v43, v20;
	v62 =	vld [tilespmem:s15+$0x1800];
	v38 =	vmul.f32 v31, v38;
	v0 =	vmax.f32 v29, $0.0e+00  }
0x82: {  	s16 =	sand.u32 $0x780, s0;
	s14 =	sor.u32 $0x10, s13;
	(erf) = vrcp.f32 v39;
	[tilespmem:s30+$0x100] =	vst v26;
	v31 =	vld [tilespmem:s15+$0x800];
	v26 =	vsub.f32 v22, v35;
	v34 =	vmul.f32 v0, v34  }
0x83: {  	s16 =	sor.u32 s16, s14;
	v39 =	vld [tilespmem:s15+$0x0];
	(erf) = vrcp.f32 v30;
	v30 =	vadd.f32 v21, v13;
	v37 =	vsub.f32 v24, v38  }
0x84: {  	v43 =	vld [tilespmem:s16+$0x1000];
	(erf) = vrcp.f32 v41;
	v22 =	vadd.f32 v61, v17;
	v24 =	vadd.f32 v61, v3  }
0x85: {  	v47 =	vld [tilespmem:s16+$0x0];
	v21 =	vmovc v61;
	(erf) = vrcp.f32 v26;
	v4 =	vsub.f32 v30, v34;
	v36 =	vmin.f32 v12, v42  }
0x86: {  	v40 =	vld [tilespmem:s16+$0x1800];
	v41 =	vadd.f32 v21, v19;
	v44 =	vmin.f32 v18, v62;
	v45 =	vmin.f32 v5, v42  }
0x87: {  	v55 =	vld [tilespmem:s16+$0x800];
	v46 =	vmin.f32 v7, v62;
	v48 =	vmax.f32 v15, v31;
	v29 =	vmax.f32 v9, v31  }
0x88: {  	v50 =	vmax.f32 v11, v39;
	v51 =	vmax.f32 v2, v39;
	v30 =	vmin.f32 v14, v62  }
0x89: {  	v49 =	vld [tilespmem:s16+$0x2000];
	v53 =	vmax.f32 v1, v31;
	v54 =	vmax.f32 v63, v39;
	v58 =	vmin.f32 v8, v62  }
0x8a: {  	v56 =	vmin.f32 v16, v43;
	v32 =	vmax.f32 v6, v47;
	v52 =	vpop (erf);
	(erf) = vrcp.f32 v4;
	v4 =	vld [tilespmem:$0x1FF90]  }
0x8b: {  	v59 =	vmax.f32 v63, v47;
	v62 =	vmax.f32 v11, v47;
	v47 =	vmax.f32 v2, v47  }
0x8c: {  	v0 =	vmin.f32 v12, v43;
	v1 =	vmax.f32 v1, v55;
	v2 =	vmin.f32 v8, v40  }
0x8d: {  	v57 =	vmin.f32 v10, v43;
	v1 =	vsub.f32 v2, v1;
	v0 =	vsub.f32 v0, v47;
	v26 =	vpop (erf)  }
0x8e: {  	v63 =	vadd.f32 v49, v13;
	v57 =	vsub.f32 v57, v32;
	v27 =	vmul.f32 v26, v27  }
0x8f: {  	s16 =	sand.u32 $0x1E00, s28;
	v1 =	vmax.f32 v1, $0.0e+00;
	v0 =	vmax.f32 v0, $0.0e+00;
	v26 =	vpop (erf);
	v61 =	vmax.f32 v4, v31  }
0x90: {  	s2 =	sadd.s32 s16, s26;
	v60 =	vpop (erf);
	v31 =	vmax.f32 v4, v55;
	v4 =	vmin.f32 v5, v43;
	v5 =	vmin.f32 v7, v40  }
0x91: {  	s30 =	sadd.s32 s24, s2;
	v43 =	vmin.f32 v16, v42;
	v28 =	vmul.f32 v60, v28;
	v60 =	vmax.f32 v15, v55  }
0x92: {  	[tilespmem:s30+$0x0] =	vst v27;
	v27 =	vpop (erf);
	(erf) = vrcp.f32 v37;
	v59 =	vsub.f32 v4, v59;
	v4 =	vsub.f32 v5, v31  }
0x93: {  	v31 =	vsub.f32 v43, v50;
	v37 =	vsub.f32 v56, v62;
	v27 =	vmul.f32 v27, v35  }
0x94: {  	s2 =	sadd.s32 s23, s2;
	v62 =	vmin.f32 v18, v40;
	v43 =	vsub.f32 v25, v33;
	v32 =	vsub.f32 v46, v61;
	v56 =	vpop (erf)  }
0x95: {  	v46 =	vadd.f32 v49, v17;
	v5 =	vsub.f32 v62, v60;
	[tilespmem:s2+$0x0] =	vst v27;
	v27 =	vmul.f32 v56, v34  }
0x96: {  	v35 =	vsub.f32 v44, v48;
	[tilespmem:s30+$0x80] =	vst v28;
	v28 =	vsub.f32 v36, v51;
	(erf) = vrcp.f32 v43  }
0x97: {  	v51 =	vmin.f32 v10, v42;
	v34 =	vmax.f32 v5, $0.0e+00;
	[tilespmem:s2+$0x80] =	vst v27;
	v27 =	vmax.f32 v37, $0.0e+00  }
0x98: {  	v62 =	vadd.f32 v49, v3;
	v42 =	vmul.f32 v52, v23;
	v27 =	vmul.f32 v34, v27  }
0x99: {  	v34 =	vmax.f32 v28, $0.0e+00;
	v28 =	vmax.f32 v9, v55;
	v55 =	vmin.f32 v14, v40  }
0x9a: {  	s29 =	sadd.s32 $0x2, s29;
	v44 =	vmax.f32 v4, $0.0e+00;
	v4 =	vmax.f32 v6, v39;
	v28 =	vsub.f32 v55, v28  }
0x9b: {  	p0 =	slt.u32 s29, $0x7A;
	v60 =	vmax.f32 v59, $0.0e+00;
	v35 =	vmax.f32 v35, $0.0e+00;
	v43 =	vadd.f32 v49, v19  }
.Ltmp0:
0x9c: {  	v56 =	vsub.f32 v58, v53;
	v58 =	vmax.f32 v57, $0.0e+00;
	v28 =	vmax.f32 v28, $0.0e+00;
	(pc) =	sbr.rel @p0 .LBB2_3-.Ltmp0, $4  }
0x9d: {  	v61 =	vsub.f32 v51, v4;
	v36 =	vmul.f32 v1, v58;
	v48 =	vpop (erf);
	v28 =	vmul.f32 v28, v0  }
0x9e: {  	v25 =	vmovc v41;
	v39 =	vsub.f32 v46, v27;
	v2 =	vmul.f32 v48, v38;
	v0 =	vmul.f32 v44, v60  }
0x9f: {  	s0 =	sadd.s32 $0x20, s0;
	s28 =	smov.u32 s31;
	v37 =	vmax.f32 v56, $0.0e+00;
	v38 =	vsub.f32 v45, v54;
	v41 =	vsub.f32 v63, v28;
	v63 =	vpop (erf)  }
0xa0: {  	s31 =	sadd.s32 $0x80, s31;
	s24 =	smov.u32 s14;
	s23 =	smov.u32 s13;
	v40 =	vmax.f32 v61, $0.0e+00;
	[tilespmem:s2+$0x180] =	vst v2;
	v44 =	vsub.f32 v62, v0;
	v23 =	vmovc v0;
	v33 =	vmul.f32 v63, v33  }
0xa1: {  	_ = 	snop  }
0xa2: {  	v1 =	vsub.f32 v30, v29;
	(erf) = vrcp.f32 v44  }
0xa3: {  	v0 =	vmax.f32 v31, $0.0e+00;
	v2 =	vsub.f32 v43, v36;
	v62 =	vmax.f32 v38, $0.0e+00  }
0xa4: {  	v63 =	vmax.f32 v32, $0.0e+00;
	v0 =	vmul.f32 v35, v0;
	v1 =	vmax.f32 v1, $0.0e+00  }
0xa5: {  	v21 =	vadd.f32 v21, v13;
	(erf) = vrcp.f32 v39;
	v1 =	vmul.f32 v1, v34  }
0xa6: {  	v5 =	vmul.f32 v63, v62;
	(erf) = vrcp.f32 v2;
	v4 =	vsub.f32 v22, v0  }
0xa7: {  	v7 =	vmul.f32 v37, v40;
	(erf) = vrcp.f32 v41;
	v6 =	vsub.f32 v21, v1  }
0xa8: {  	v24 =	vsub.f32 v24, v5;
	(erf) = vrcp.f32 v4  }
0xa9: {  	v30 =	vsub.f32 v25, v7;
	(erf) = vrcp.f32 v6  }
0xaa: {  	(erf) = vrcp.f32 v24  }
0xab: {  	v31 =	vpop (erf);
	(erf) = vrcp.f32 v30;
	_ =	sdelay $0x1  }
0xac: {  	v20 =	vmul.f32 v26, v20;
	[tilespmem:s30+$0x180] =	vst v42;
	s0 =	sand.u32 $0x1E00, s28  }
0xad: {  	[tilespmem:s2+$0x100] =	vst v33;
	s0 =	sadd.s32 s0, s26;
	v32 =	vpop (erf);
	v42 =	vmul.f32 v31, v23  }
0xae: {  	[tilespmem:s30+$0x100] =	vst v20;
	s29 =	sadd.s32 s24, s0;
	v34 =	vpop (erf);
	v2 =	vmul.f32 v32, v27  }
0xaf: {  	v35 =	vpop (erf);
	v45 =	vmul.f32 v34, v36;
	[tilespmem:s29+$0x180] =	vst v42  }
0xb0: {  	v37 =	vpop (erf);
	[tilespmem:s29+$0x0] =	vst v2;
	v38 =	vmul.f32 v35, v28  }
0xb1: {  	v0 =	vmul.f32 v37, v0;
	[tilespmem:s29+$0x100] =	vst v45;
	v39 =	vpop (erf)  }
0xb2: {  	s0 =	sadd.s32 s23, s0;
	[tilespmem:s29+$0x80] =	vst v38;
	v40 =	vmul.f32 v39, v1;
	v41 =	vpop (erf)  }
0xb3: {  	[tilespmem:s0+$0x0] =	vst v0;
	v1 =	vmul.f32 v41, v5;
	v43 =	vpop (erf)  }
0xb4: {  	[tilespmem:s0+$0x80] =	vst v40;
	v44 =	vmul.f32 v43, v7  }
0xb5: {  	[tilespmem:s0+$0x180] =	vst v1  }
0xb6: {  	[tilespmem:s0+$0x100] =	vst v44  }
0xb7: {  	v0 =	vld [tilespmem:$0x7C0]  }
0xb8: {  	v1 =	vld [tilespmem:$0xFC0]  }
0xb9: {  	v2 =	vld [tilespmem:$0x17C0]  }
0xba: {  	v46 =	vld [tilespmem:$0x1FC0]  }
0xbb: {  	v47 =	vld [tilespmem:$0x27C0]  }
0xbc: {  	v3 =	vld [tilespmem:$0x1FFC0]  }
0xbd: {  	v49 =	vld [tilespmem:$0x1FFE0]  }
0xbe: {  	v51 =	vld [tilespmem:$0x1FFB0]  }
0xbf: {  	v52 =	vld [tilespmem:$0x1FFD0];
	v11 =	vmax.f32 v11, v0  }
0xc0: {  	v53 =	vld [tilespmem:$0x1FF90];
	v15 =	vmax.f32 v15, v1;
	v16 =	vmin.f32 v16, v2;
	v18 =	vmin.f32 v18, v46  }
0xc1: {  	v54 =	vld [tilespmem:$0x1FFA0];
	v48 =	vadd.f32 v47, v17;
	v7 =	vmax.f32 v3, v0;
	v12 =	vmin.f32 v12, v2  }
0xc2: {  	v55 =	vld [tilespmem:$0x1FF80];
	v9 =	vmax.f32 v9, v1;
	v14 =	vmin.f32 v14, v46;
	v5 =	vmax.f32 v49, v0  }
0xc3: {  	v10 =	vmin.f32 v10, v2;
	v4 =	vmax.f32 v51, v1;
	v8 =	vmin.f32 v8, v46  }
0xc4: {  	v0 =	vmax.f32 v52, v0;
	v57 =	vadd.f32 v47, v13;
	v58 =	vadd.f32 v47, v19  }
0xc5: {  	v1 =	vmax.f32 v53, v1;
	v11 =	vsub.f32 v16, v11;
	v15 =	vsub.f32 v18, v15  }
0xc6: {  	v2 =	vmin.f32 v54, v2;
	v7 =	vsub.f32 v12, v7;
	v9 =	vsub.f32 v14, v9  }
0xc7: {  	v3 =	vmin.f32 v55, v46;
	v5 =	vsub.f32 v10, v5;
	v4 =	vsub.f32 v8, v4  }
0xc8: {  	v59 =	vld [tilespmem:$0x1FFF0];
	v0 =	vsub.f32 v2, v0;
	v1 =	vsub.f32 v3, v1  }
0xc9: {  	v11 =	vmax.f32 v11, $0.0e+00;
	v15 =	vmax.f32 v15, $0.0e+00;
	v7 =	vmax.f32 v7, $0.0e+00  }
0xca: {  	v9 =	vmax.f32 v9, $0.0e+00;
	v5 =	vmax.f32 v5, $0.0e+00;
	v11 =	vmul.f32 v15, v11  }
0xcb: {  	v4 =	vmax.f32 v4, $0.0e+00;
	v0 =	vmax.f32 v0, $0.0e+00;
	v56 =	vmul.f32 v9, v7  }
0xcc: {  	v1 =	vmax.f32 v1, $0.0e+00;
	v4 =	vmul.f32 v4, v5;
	v50 =	vsub.f32 v48, v11  }
0xcd: {  	v0 =	vmul.f32 v1, v0;
	v1 =	vadd.f32 v47, v59;
	v3 =	vsub.f32 v57, v56  }
0xce: {  	v5 =	vsub.f32 v58, v4;
	(erf) = vrcp.f32 v50  }
0xcf: {  	v1 =	vsub.f32 v1, v0;
	(erf) = vrcp.f32 v3  }
0xd0: {  	(erf) = vrcp.f32 v5  }
0xd1: {  	(erf) = vrcp.f32 v1;
	_ =	sdelay $0x5  }
0xd2: {  	v60 =	vpop (erf)  }
0xd3: {  	s31 =	sshll.u32 s21, $0x9;
	s21 =	sadd.s32 $0x1, s21;
	v1 =	vmul.f32 v60, v11;
	v3 =	vpop (erf)  }
0xd4: {  	p0 =	sne.s32 s21, s10;
	s30 =	sshll.u32 s22, $0xB;
	v2 =	vmul.f32 v3, v56;
	v61 =	vpop (erf)  }
.Ltmp1:
0xd5: {  	s2 =	sand.u32 $0x200, s31;
	s0 =	sand.u32 $0xFFFFC000, s30;
	[tilespmem:s25+$0x4640] =	vst v1;
	v62 =	vmul.f32 v61, v4;
	v63 =	vpop (erf);
	(pc) =	sbr.rel @p0 .LBB2_2-.Ltmp1, $4  }
0xd6: {  	s0 =	sor.u32 s2, s0;
	[tilespmem:s25+$0x46C0] =	vst v2;
	v0 =	vmul.f32 v63, v0  }
0xd7: {  	s0 =	sshrl.u32 s0, $0x3;
	[tilespmem:s25+$0x4740] =	vst v62  }
0xd8: {  	s0 =	sadd.s32 s1, s0;
	[tilespmem:s25+$0x47C0] =	vst v0  }
0xd9: {  	[hbm4b:s0+s17] =	stream.strided.scatter [tilespmem:s26], [sflag:$0x1], $0x2000, s18, s17, $0x38;
	[tilespmem:$0xA800] =	vst v63  }
0xda: {  	_ =	swait.ge [sflag:s19], $0x2000  }
0xdb: {  	[sflag:s19] =	ssyncset.done $0x0  }
0xdc: {  	[sflag:s19] =	ssyncadd.s32 $0xFFFFE000  }
0xdd: {  	_ =	swait.ge [sflag:s19], $0x2000  }
0xde: {  	[sflag:s19] =	ssyncset.done $0x0  }
0xdf: {  	s20 =	sadd.s32 $0x1, s20;
	[sflag:s19] =	ssyncadd.s32 $0xFFFFE000  }
0xe0: {  	p0 =	sne.s32 s20, s11;
	_ =	swait.ge [sflag:s19], $0x2000  }
.Ltmp2:
0xe1: {  	[sflag:s19] =	ssyncset.done $0x0;
	(pc) =	sbr.rel @p0 .LBB2_1-.Ltmp2, $4  }
0xe2: {  	[sflag:s19] =	ssyncadd.s32 $0xFFFFE000  }
0xe3: {  	_ =	swait.ge [sflag:s19], $0x2000  }
0xe4: {  	[sflag:s19] =	ssyncset.done $0x0  }
0xe5: {  	[sflag:s19] =	ssyncadd.s32 $0xFFFFE000  }
0xe6: {  	_ =	sfence.sel $0x180000  }
0xe7: {  	[bflag:$0x0] =	sbarrier.arrive $0xFFFF  }
0xe8: {  	_ =	strace $0x90000047  }
0xe9: {  	s0 =	stileid.u32;
	[bflag:$0x2] =	sbarrier.arrive $0xFFFF  }
0xea: {  	p0 =	sne.s32 s0, $0x0;
	s0 =	rddreg [dreg:$0x2]  }
0xeb: {  	s0 =	sadd.s32 @!p0 $0x100000, s0  }
0xec: {  	[sflag:s0] =	ssyncadd.tile.s32 @!p0 $0x1;
	_ =	shalt  }
.Lfunc_end2:
_tile_overlayer_lowered:
.L_overlay_start_2:
0xed: {  	(tag) =	ssettag $0x2  }
0xee: {  	s0 =	rddreg [dreg:$0x0];
	s2 =	stileid.u32  }
0xef: {  	s1 =	rddreg [dreg:$0x1];
	p0 =	sne.s32 s2, $0x0  }
0xf0: {  	s3 =	rddreg [dreg:$0x2];
	[bflag:$0x3] =	sbarrier.arrive $0xFFFF;
	s2 =	simm.s32 @!p0 $0x1C02  }
0xf1: {  	[timem:s3], [sflag:s2] =	dma.local @!p0 [hbm:s0], s1  }
0xf2: {  	s0 =	simm.s32 @!p0 $0x2  }
0xf3: {  	_ =	swait.ge @!p0 [sflag:s0], s1  }
0xf4: {  	s1 =	ssub.s32 @!p0 $0x0, s1;
	[sflag:s0] =	ssyncset.done @!p0 $0x0  }
0xf5: {  	[sflag:s0] =	ssyncadd.s32 @!p0 s1  }
0xf6: {  	[bflag:$0x3] =	sbarrier.arrive $0xFFFF  }
0xf7: {  	_ =	shalt  }

</sc_bundles>
